<compile_context>
chip_gen: v7x
topology: tpu7x:2x2x1
jax: 0.10.2.dev20260603
libtpu: 0.0.44.dev20260713+nightly
codegen_flags: <defaults>
</compile_context>

<pallas_src>
import functools

import jax
import jax.numpy as jnp
from jax import lax
from jax.experimental import pallas as pl
from jax.experimental.pallas import tpu as pltpu
from jax.experimental.pallas import tpu_sc as plsc

_DIM = 32
_B = 16384
_NC = 2
_NS = 16
_NW = _NC * _NS
_BPW = _B // _NW

_MLP_BLK = 2048


def _sc_gather_body(ut, it, st, gt, ui, ii, si, gi,
                    ue_o, ie_o, se_o, ge_o,
                    idx_v, rows, sem):
    wid = lax.axis_index("s") * _NC + lax.axis_index("c")
    base = wid * _BPW
    tables = (ut, it, st, gt)
    idx_hbm = (ui, ii, si, gi)
    outs = (ue_o, ie_o, se_o, ge_o)
    for tbl, ih, o in zip(tables, idx_hbm, outs):
        pltpu.sync_copy(ih.at[pl.ds(base, _BPW)], idx_v)

        def issue(g, _):
            vec = idx_v[pl.ds(g * 16, 16)]
            for j in range(16):
                pltpu.async_copy(tbl.at[pl.ds(vec[j], 1)],
                                 rows.at[pl.ds(g * 16 + j, 1)], sem)
            return _

        lax.fori_loop(0, _BPW // 16, issue, 0)
        pltpu.make_async_copy(tbl.at[pl.ds(0, _BPW)], rows, sem).wait()
        pltpu.sync_copy(rows, o.at[pl.ds(base, _BPW)])


@functools.cache
def _sc_gather():
    return pl.kernel(
        _sc_gather_body,
        mesh=plsc.VectorSubcoreMesh(core_axis_name="c", subcore_axis_name="s"),
        out_type=[jax.ShapeDtypeStruct((_B, _DIM), jnp.float32) for _ in range(4)],
        scratch_types=[
            pltpu.VMEM((_BPW,), jnp.int32),
            pltpu.VMEM((_BPW, _DIM), jnp.float32),
            pltpu.SemaphoreType.DMA,
        ],
    )


def _mlp_body(ue, ie, se, ge, w1u, w1i, w1s, w1g, b1, w2, b2, w3, b3,
              w4, b4, wo, bo, out):
    h = (jnp.dot(ue[...], w1u[...], preferred_element_type=jnp.float32)
         + jnp.dot(ie[...], w1i[...], preferred_element_type=jnp.float32)
         + jnp.dot(se[...], w1s[...], preferred_element_type=jnp.float32)
         + jnp.dot(ge[...], w1g[...], preferred_element_type=jnp.float32)
         + b1[...])
    h = jnp.maximum(h, 0.0)
    h = jnp.maximum(jnp.dot(h, w2[...], preferred_element_type=jnp.float32) + b2[...], 0.0)
    h = jnp.maximum(jnp.dot(h, w3[...], preferred_element_type=jnp.float32) + b3[...], 0.0)
    h = jnp.maximum(jnp.dot(h, w4[...], preferred_element_type=jnp.float32) + b4[...], 0.0)
    p = jnp.dot(h, wo[...], preferred_element_type=jnp.float32) + bo[...]
    out[...] = p[:, 0]


def _mlp(ue, ie, se, ge, w1u, w1i, w1s, w1g, b1, w2, b2, w3, b3, w4, b4, wo, bo):
    n_blk = _B // _MLP_BLK
    emb_spec = pl.BlockSpec((_MLP_BLK, _DIM), lambda i: (i, 0))

    def full(shape):
        return pl.BlockSpec(shape, lambda i: tuple(0 for _ in shape))

    return pl.pallas_call(
        _mlp_body,
        grid=(n_blk,),
        in_specs=[emb_spec, emb_spec, emb_spec, emb_spec,
                  full(w1u.shape), full(w1i.shape), full(w1s.shape), full(w1g.shape),
                  full(b1.shape), full(w2.shape), full(b2.shape),
                  full(w3.shape), full(b3.shape), full(w4.shape), full(b4.shape),
                  full(wo.shape), full(bo.shape)],
        out_specs=pl.BlockSpec((_MLP_BLK,), lambda i: (i,)),
        out_shape=jax.ShapeDtypeStruct((_B,), jnp.float32),
    )(ue, ie, se, ge, w1u, w1i, w1s, w1g, b1, w2, b2, w3, b3, w4, b4, wo, bo)


def kernel(user_indices, item_indices, social_indices, giver_indices,
           user_table, item_table, social_table, giver_table,
           W1, b1, W2, b2, W3, b3, W4, b4, Wo, bo):
    ue, ie, se, ge = _sc_gather()(user_table, item_table, social_table,
                                  giver_table, user_indices, item_indices,
                                  social_indices, giver_indices)
    w1t = W1.T
    w1u, w1i, w1s, w1g = (w1t[0:32], w1t[32:64], w1t[64:96], w1t[96:128])
    return _mlp(ue, ie, se, ge, w1u, w1i, w1s, w1g,
                b1.reshape(1, -1), W2.T, b2.reshape(1, -1),
                W3.T, b3.reshape(1, -1), W4.T, b4.reshape(1, -1),
                Wo.T, bo.reshape(1, 1))

# --- scband reference (transcript-rebuilt; emitter-appended) ---
"""Pipeline reference for scband-ncf-14585708937371 (READ-ONLY COPY).

The authoritative reference and input builder live on the scoring server;
editing this copy changes nothing except your own understanding.
"""

import jax, jax.numpy as jnp
import numpy as np

NUM_USERS = 1000000
NUM_ITEMS = 1000000
DIM = 32
B = 16384
HIDDEN = [64, 32, 16, 8]


def setup_inputs(seed: int = 0) -> dict:
    key = jax.random.key(seed)
    ks = jax.random.split(key, 20)
    user_indices = jax.random.randint(ks[0], (B,), 0, NUM_USERS, dtype=jnp.int32)
    item_indices = jax.random.randint(ks[1], (B,), 0, NUM_ITEMS, dtype=jnp.int32)
    social_indices = jax.random.randint(ks[2], (B,), 0, NUM_USERS, dtype=jnp.int32)
    giver_indices = jax.random.randint(ks[3], (B,), 0, NUM_USERS, dtype=jnp.int32)
    user_table = jax.random.normal(ks[4], (NUM_USERS + 1, DIM), jnp.float32) * 0.02
    user_table = user_table.at[NUM_USERS].set(0.0)
    item_table = jax.random.normal(ks[5], (NUM_ITEMS + 1, DIM), jnp.float32) * 0.02
    item_table = item_table.at[NUM_ITEMS].set(0.0)
    social_table = jax.random.normal(ks[6], (NUM_USERS + 1, DIM), jnp.float32) * 0.02
    social_table = social_table.at[NUM_USERS].set(0.0)
    giver_table = jax.random.normal(ks[7], (NUM_USERS + 1, DIM), jnp.float32) * 0.02
    giver_table = giver_table.at[NUM_USERS].set(0.0)
    in_size = DIM * 4
    weights = {}
    sizes = [in_size] + HIDDEN
    for i in range(len(HIDDEN)):
        weights[f'W{i+1}'] = jax.random.normal(ks[8 + 2 * i], (sizes[i + 1], sizes[i]), jnp.float32) * (1.0 / np.sqrt(sizes[i]))
        weights[f'b{i+1}'] = jnp.zeros((sizes[i + 1],), jnp.float32)
    Wo = jax.random.normal(ks[16], (1, HIDDEN[-1]), jnp.float32) * (1.0 / np.sqrt(HIDDEN[-1]))
    bo = jnp.zeros((1,), jnp.float32)
    return {
        'user_indices': user_indices, 'item_indices': item_indices,
        'social_indices': social_indices, 'giver_indices': giver_indices,
        'user_table': user_table, 'item_table': item_table,
        'social_table': social_table, 'giver_table': giver_table,
        'W1': weights['W1'], 'b1': weights['b1'],
        'W2': weights['W2'], 'b2': weights['b2'],
        'W3': weights['W3'], 'b3': weights['b3'],
        'W4': weights['W4'], 'b4': weights['b4'],
        'Wo': Wo, 'bo': bo,
    }


def reference(user_indices, item_indices, social_indices, giver_indices,
              user_table, item_table, social_table, giver_table,
              W1, b1, W2, b2, W3, b3, W4, b4, Wo, bo):
    ui = jnp.clip(user_indices, 0, user_table.shape[0] - 1)
    ii = jnp.clip(item_indices, 0, item_table.shape[0] - 1)
    si = jnp.clip(social_indices, 0, social_table.shape[0] - 1)
    gi = jnp.clip(giver_indices, 0, giver_table.shape[0] - 1)
    ue = jnp.take(user_table, ui, axis=0)
    ie = jnp.take(item_table, ii, axis=0)
    se = jnp.take(social_table, si, axis=0)
    ge = jnp.take(giver_table, gi, axis=0)
    v = jnp.concatenate([ue, ie, se, ge], axis=-1)
    h = jax.nn.relu(v @ W1.T + b1)
    h = jax.nn.relu(h @ W2.T + b2)
    h = jax.nn.relu(h @ W3.T + b3)
    h = jax.nn.relu(h @ W4.T + b4)
    pred = h @ Wo.T + bo
    return pred.reshape(-1)

if __name__ == "__main__":
    import jax
    _d = setup_inputs()
    print(jax.jit(kernel)(*tuple(_d.values())))

</pallas_src>

<mosaic_0001>
#map = affine_map<(d0, d1) -> (0, 0)>
#map1 = affine_map<(d0, d1) -> (0)>
module attributes {stable_mosaic.version = 14 : i64} {
  func.func @_sc_gather_body(%arg0: i32, %arg1: i32, %arg2: memref<1000001x32xf32, #tpu.memory_space<hbm>>, %arg3: memref<1000001x32xf32, #tpu.memory_space<hbm>>, %arg4: memref<1000001x32xf32, #tpu.memory_space<hbm>>, %arg5: memref<1000001x32xf32, #tpu.memory_space<hbm>>, %arg6: memref<16384xi32, #tpu.memory_space<hbm>>, %arg7: memref<16384xi32, #tpu.memory_space<hbm>>, %arg8: memref<16384xi32, #tpu.memory_space<hbm>>, %arg9: memref<16384xi32, #tpu.memory_space<hbm>>, %arg10: memref<16384x32xf32, #tpu.memory_space<hbm>>, %arg11: memref<16384x32xf32, #tpu.memory_space<hbm>>, %arg12: memref<16384x32xf32, #tpu.memory_space<hbm>>, %arg13: memref<16384x32xf32, #tpu.memory_space<hbm>>, %arg14: memref<512xi32, #tpu.memory_space<vmem>>, %arg15: memref<512x32xf32, #tpu.memory_space<vmem>>, %arg16: memref<!tpu.dma_semaphore, #tpu.memory_space<semaphore_mem>>) attributes {dimension_semantics = [#tpu.dimension_semantics<core_parallel>, #tpu.dimension_semantics<subcore_parallel>], iteration_bounds = array<i64: 2, 16>, scalar_prefetch = 0 : i64, scratch_operands = 3 : i64, tpu.core_type = #tpu.core_type<sc_vector_subcore>, window_params = [{transform_indices = #map}, {transform_indices = #map}, {transform_indices = #map}, {transform_indices = #map}, {transform_indices = #map1}, {transform_indices = #map1}, {transform_indices = #map1}, {transform_indices = #map1}, {transform_indices = #map}, {transform_indices = #map}, {transform_indices = #map}, {transform_indices = #map}]} {
    %mul3A = arith.constant 2 : i32
    %mul3A_0 = arith.muli %arg1, %mul3A : i32
    %add3A = arith.addi %mul3A_0, %arg0 : i32
    %mul3A_1 = arith.constant 512 : i32
    %mul3A_2 = arith.muli %add3A, %mul3A_1 : i32
    "tpu.region"() ({
      %run_scoped3A = tpu.sem_alloc : memref<!tpu.dma_semaphore, #tpu.memory_space<semaphore_mem>>
      %dma_start3A = tpu.memref_slice %arg6[%mul3A_2] : memref<16384xi32, #tpu.memory_space<hbm>> -> memref<512xi32, #tpu.memory_space<hbm>>
      %dma_start3A_49 = tpu.memref_slice %arg6[%mul3A_2] : memref<16384xi32, #tpu.memory_space<hbm>> -> memref<512xi32, #tpu.memory_space<hbm>>
      tpu.enqueue_dma source(%dma_start3A_49 : memref<512xi32, #tpu.memory_space<hbm>>) target(%arg14 : memref<512xi32, #tpu.memory_space<vmem>>) target_semaphore(%run_scoped3A : memref<!tpu.dma_semaphore, #tpu.memory_space<semaphore_mem>>)
      %dma_wait3A_50 = tpu.memref_slice %arg6[%mul3A_2] : memref<16384xi32, #tpu.memory_space<hbm>> -> memref<512xi32, #tpu.memory_space<hbm>>
      %dma_wait3A_51 = tpu.memref_slice %arg6[%mul3A_2] : memref<16384xi32, #tpu.memory_space<hbm>> -> memref<512xi32, #tpu.memory_space<hbm>>
      tpu.wait_dma2 semaphore(%run_scoped3A : memref<!tpu.dma_semaphore, #tpu.memory_space<semaphore_mem>>) src(%dma_wait3A_51 : memref<512xi32, #tpu.memory_space<hbm>>) dst(%arg14 : memref<512xi32, #tpu.memory_space<vmem>>)
      tpu.yield
    }) : () -> ()
    %scan3A = arith.constant 0 : i32
    %scan3A_3 = arith.constant 0 : i32
    %scan3A_4 = arith.constant 32 : i32
    %scan3A_5 = arith.addi %scan3A_3, %scan3A_4 : i32
    %scan3A_6 = arith.constant 1 : i32
    scf.for %scan3A_49 = %scan3A_3 to %scan3A_5 step %scan3A_6  : i32 {
      %mul3A_50 = arith.constant 16 : i32
      %mul3A_51 = arith.muli %scan3A_49, %mul3A_50 : i32
      %get3A = arith.index_cast %mul3A_51 : i32 to index
      %get3A_52 = tpu.vector_load %arg14[%get3A] {strides = array<i32>} : memref<512xi32, #tpu.memory_space<vmem>>, vector<16xi32>,
      %get3A_53 = vector.shape_cast %get3A_52 : vector<16xi32> to vector<16xi32>
      %slice3A = vector.extract_strided_slice %get3A_53 {offsets = [0], sizes = [1], strides = [1]} : vector<16xi32> to vector<1xi32>
      %squeeze3A = vector.extract %slice3A[0] : i32 from vector<1xi32>
      %mul3A_54 = arith.constant 16 : i32
      %mul3A_55 = arith.muli %scan3A_49, %mul3A_54 : i32
      %add3A_56 = arith.constant 0 : i32
      %add3A_57 = arith.addi %mul3A_55, %add3A_56 : i32
      %dma_start3A = arith.constant 0 : i32
      %dma_start3A_58 = tpu.memref_slice %arg15[%add3A_57, %dma_start3A] : memref<512x32xf32, #tpu.memory_space<vmem>> -> memref<1x32xf32, #tpu.memory_space<vmem>>
      %dma_start3A_59 = arith.constant 0 : i32
      %dma_start3A_60 = tpu.memref_slice %arg2[%squeeze3A, %dma_start3A_59] : memref<1000001x32xf32, #tpu.memory_space<hbm>> -> memref<1x32xf32, #tpu.memory_space<hbm>>
      %dma_start3A_61 = arith.constant 0 : i32
      %dma_start3A_62 = tpu.memref_slice %arg15[%add3A_57, %dma_start3A_61] : memref<512x32xf32, #tpu.memory_space<vmem>> -> memref<1x32xf32, #tpu.memory_space<vmem>>
      %dma_start3A_63 = arith.constant 0 : i32
      %dma_start3A_64 = tpu.memref_slice %arg2[%squeeze3A, %dma_start3A_63] : memref<1000001x32xf32, #tpu.memory_space<hbm>> -> memref<1x32xf32, #tpu.memory_space<hbm>>
      tpu.enqueue_dma source(%dma_start3A_64 : memref<1x32xf32, #tpu.memory_space<hbm>>) target(%dma_start3A_62 : memref<1x32xf32, #tpu.memory_space<vmem>>) target_semaphore(%arg16 : memref<!tpu.dma_semaphore, #tpu.memory_space<semaphore_mem>>)
      %slice3A_65 = vector.extract_strided_slice %get3A_53 {offsets = [1], sizes = [1], strides = [1]} : vector<16xi32> to vector<1xi32>
      %squeeze3A_66 = vector.extract %slice3A_65[0] : i32 from vector<1xi32>
      %mul3A_67 = arith.constant 16 : i32
      %mul3A_68 = arith.muli %scan3A_49, %mul3A_67 : i32
      %add3A_69 = arith.constant 1 : i32
      %add3A_70 = arith.addi %mul3A_68, %add3A_69 : i32
      %dma_start3A_71 = arith.constant 0 : i32
      %dma_start3A_72 = tpu.memref_slice %arg15[%add3A_70, %dma_start3A_71] : memref<512x32xf32, #tpu.memory_space<vmem>> -> memref<1x32xf32, #tpu.memory_space<vmem>>
      %dma_start3A_73 = arith.constant 0 : i32
      %dma_start3A_74 = tpu.memref_slice %arg2[%squeeze3A_66, %dma_start3A_73] : memref<1000001x32xf32, #tpu.memory_space<hbm>> -> memref<1x32xf32, #tpu.memory_space<hbm>>
      %dma_start3A_75 = arith.constant 0 : i32
      %dma_start3A_76 = tpu.memref_slice %arg15[%add3A_70, %dma_start3A_75] : memref<512x32xf32, #tpu.memory_space<vmem>> -> memref<1x32xf32, #tpu.memory_space<vmem>>
      %dma_start3A_77 = arith.constant 0 : i32
      %dma_start3A_78 = tpu.memref_slice %arg2[%squeeze3A_66, %dma_start3A_77] : memref<1000001x32xf32, #tpu.memory_space<hbm>> -> memref<1x32xf32, #tpu.memory_space<hbm>>
      tpu.enqueue_dma source(%dma_start3A_78 : memref<1x32xf32, #tpu.memory_space<hbm>>) target(%dma_start3A_76 : memref<1x32xf32, #tpu.memory_space<vmem>>) target_semaphore(%arg16 : memref<!tpu.dma_semaphore, #tpu.memory_space<semaphore_mem>>)
      %slice3A_79 = vector.extract_strided_slice %get3A_53 {offsets = [2], sizes = [1], strides = [1]} : vector<16xi32> to vector<1xi32>
      %squeeze3A_80 = vector.extract %slice3A_79[0] : i32 from vector<1xi32>
      %mul3A_81 = arith.constant 16 : i32
      %mul3A_82 = arith.muli %scan3A_49, %mul3A_81 : i32
      %add3A_83 = arith.constant 2 : i32
      %add3A_84 = arith.addi %mul3A_82, %add3A_83 : i32
      %dma_start3A_85 = arith.constant 0 : i32
      %dma_start3A_86 = tpu.memref_slice %arg15[%add3A_84, %dma_start3A_85] : memref<512x32xf32, #tpu.memory_space<vmem>> -> memref<1x32xf32, #tpu.memory_space<vmem>>
      %dma_start3A_87 = arith.constant 0 : i32
      %dma_start3A_88 = tpu.memref_slice %arg2[%squeeze3A_80, %dma_start3A_87] : memref<1000001x32xf32, #tpu.memory_space<hbm>> -> memref<1x32xf32, #tpu.memory_space<hbm>>
      %dma_start3A_89 = arith.constant 0 : i32
      %dma_start3A_90 = tpu.memref_slice %arg15[%add3A_84, %dma_start3A_89] : memref<512x32xf32, #tpu.memory_space<vmem>> -> memref<1x32xf32, #tpu.memory_space<vmem>>
      %dma_start3A_91 = arith.constant 0 : i32
      %dma_start3A_92 = tpu.memref_slice %arg2[%squeeze3A_80, %dma_start3A_91] : memref<1000001x32xf32, #tpu.memory_space<hbm>> -> memref<1x32xf32, #tpu.memory_space<hbm>>
      tpu.enqueue_dma source(%dma_start3A_92 : memref<1x32xf32, #tpu.memory_space<hbm>>) target(%dma_start3A_90 : memref<1x32xf32, #tpu.memory_space<vmem>>) target_semaphore(%arg16 : memref<!tpu.dma_semaphore, #tpu.memory_space<semaphore_mem>>)
      %slice3A_93 = vector.extract_strided_slice %get3A_53 {offsets = [3], sizes = [1], strides = [1]} : vector<16xi32> to vector<1xi32>
      %squeeze3A_94 = vector.extract %slice3A_93[0] : i32 from vector<1xi32>
      %mul3A_95 = arith.constant 16 : i32
      %mul3A_96 = arith.muli %scan3A_49, %mul3A_95 : i32
      %add3A_97 = arith.constant 3 : i32
      %add3A_98 = arith.addi %mul3A_96, %add3A_97 : i32
      %dma_start3A_99 = arith.constant 0 : i32
      %dma_start3A_100 = tpu.memref_slice %arg15[%add3A_98, %dma_start3A_99] : memref<512x32xf32, #tpu.memory_space<vmem>> -> memref<1x32xf32, #tpu.memory_space<vmem>>
      %dma_start3A_101 = arith.constant 0 : i32
      %dma_start3A_102 = tpu.memref_slice %arg2[%squeeze3A_94, %dma_start3A_101] : memref<1000001x32xf32, #tpu.memory_space<hbm>> -> memref<1x32xf32, #tpu.memory_space<hbm>>
      %dma_start3A_103 = arith.constant 0 : i32
      %dma_start3A_104 = tpu.memref_slice %arg15[%add3A_98, %dma_start3A_103] : memref<512x32xf32, #tpu.memory_space<vmem>> -> memref<1x32xf32, #tpu.memory_space<vmem>>
      %dma_start3A_105 = arith.constant 0 : i32
      %dma_start3A_106 = tpu.memref_slice %arg2[%squeeze3A_94, %dma_start3A_105] : memref<1000001x32xf32, #tpu.memory_space<hbm>> -> memref<1x32xf32, #tpu.memory_space<hbm>>
      tpu.enqueue_dma source(%dma_start3A_106 : memref<1x32xf32, #tpu.memory_space<hbm>>) target(%dma_start3A_104 : memref<1x32xf32, #tpu.memory_space<vmem>>) target_semaphore(%arg16 : memref<!tpu.dma_semaphore, #tpu.memory_space<semaphore_mem>>)
      %slice3A_107 = vector.extract_strided_slice %get3A_53 {offsets = [4], sizes = [1], strides = [1]} : vector<16xi32> to vector<1xi32>
      %squeeze3A_108 = vector.extract %slice3A_107[0] : i32 from vector<1xi32>
      %mul3A_109 = arith.constant 16 : i32
      %mul3A_110 = arith.muli %scan3A_49, %mul3A_109 : i32
      %add3A_111 = arith.constant 4 : i32
      %add3A_112 = arith.addi %mul3A_110, %add3A_111 : i32
      %dma_start3A_113 = arith.constant 0 : i32
      %dma_start3A_114 = tpu.memref_slice %arg15[%add3A_112, %dma_start3A_113] : memref<512x32xf32, #tpu.memory_space<vmem>> -> memref<1x32xf32, #tpu.memory_space<vmem>>
      %dma_start3A_115 = arith.constant 0 : i32
      %dma_start3A_116 = tpu.memref_slice %arg2[%squeeze3A_108, %dma_start3A_115] : memref<1000001x32xf32, #tpu.memory_space<hbm>> -> memref<1x32xf32, #tpu.memory_space<hbm>>
      %dma_start3A_117 = arith.constant 0 : i32
      %dma_start3A_118 = tpu.memref_slice %arg15[%add3A_112, %dma_start3A_117] : memref<512x32xf32, #tpu.memory_space<vmem>> -> memref<1x32xf32, #tpu.memory_space<vmem>>
      %dma_start3A_119 = arith.constant 0 : i32
      %dma_start3A_120 = tpu.memref_slice %arg2[%squeeze3A_108, %dma_start3A_119] : memref<1000001x32xf32, #tpu.memory_space<hbm>> -> memref<1x32xf32, #tpu.memory_space<hbm>>
      tpu.enqueue_dma source(%dma_start3A_120 : memref<1x32xf32, #tpu.memory_space<hbm>>) target(%dma_start3A_118 : memref<1x32xf32, #tpu.memory_space<vmem>>) target_semaphore(%arg16 : memref<!tpu.dma_semaphore, #tpu.memory_space<semaphore_mem>>)
      %slice3A_121 = vector.extract_strided_slice %get3A_53 {offsets = [5], sizes = [1], strides = [1]} : vector<16xi32> to vector<1xi32>
      %squeeze3A_122 = vector.extract %slice3A_121[0] : i32 from vector<1xi32>
      %mul3A_123 = arith.constant 16 : i32
      %mul3A_124 = arith.muli %scan3A_49, %mul3A_123 : i32
      %add3A_125 = arith.constant 5 : i32
      %add3A_126 = arith.addi %mul3A_124, %add3A_125 : i32
      %dma_start3A_127 = arith.constant 0 : i32
      %dma_start3A_128 = tpu.memref_slice %arg15[%add3A_126, %dma_start3A_127] : memref<512x32xf32, #tpu.memory_space<vmem>> -> memref<1x32xf32, #tpu.memory_space<vmem>>
      %dma_start3A_129 = arith.constant 0 : i32
      %dma_start3A_130 = tpu.memref_slice %arg2[%squeeze3A_122, %dma_start3A_129] : memref<1000001x32xf32, #tpu.memory_space<hbm>> -> memref<1x32xf32, #tpu.memory_space<hbm>>
      %dma_start3A_131 = arith.constant 0 : i32
      %dma_start3A_132 = tpu.memref_slice %arg15[%add3A_126, %dma_start3A_131] : memref<512x32xf32, #tpu.memory_space<vmem>> -> memref<1x32xf32, #tpu.memory_space<vmem>>
      %dma_start3A_133 = arith.constant 0 : i32
      %dma_start3A_134 = tpu.memref_slice %arg2[%squeeze3A_122, %dma_start3A_133] : memref<1000001x32xf32, #tpu.memory_space<hbm>> -> memref<1x32xf32, #tpu.memory_space<hbm>>
      tpu.enqueue_dma source(%dma_start3A_134 : memref<1x32xf32, #tpu.memory_space<hbm>>) target(%dma_start3A_132 : memref<1x32xf32, #tpu.memory_space<vmem>>) target_semaphore(%arg16 : memref<!tpu.dma_semaphore, #tpu.memory_space<semaphore_mem>>)
      %slice3A_135 = vector.extract_strided_slice %get3A_53 {offsets = [6], sizes = [1], strides = [1]} : vector<16xi32> to vector<1xi32>
      %squeeze3A_136 = vector.extract %slice3A_135[0] : i32 from vector<1xi32>
      %mul3A_137 = arith.constant 16 : i32
      %mul3A_138 = arith.muli %scan3A_49, %mul3A_137 : i32
      %add3A_139 = arith.constant 6 : i32
      %add3A_140 = arith.addi %mul3A_138, %add3A_139 : i32
      %dma_start3A_141 = arith.constant 0 : i32
      %dma_start3A_142 = tpu.memref_slice %arg15[%add3A_140, %dma_start3A_141] : memref<512x32xf32, #tpu.memory_space<vmem>> -> memref<1x32xf32, #tpu.memory_space<vmem>>
      %dma_start3A_143 = arith.constant 0 : i32
      %dma_start3A_144 = tpu.memref_slice %arg2[%squeeze3A_136, %dma_start3A_143] : memref<1000001x32xf32, #tpu.memory_space<hbm>> -> memref<1x32xf32, #tpu.memory_space<hbm>>
      %dma_start3A_145 = arith.constant 0 : i32
      %dma_start3A_146 = tpu.memref_slice %arg15[%add3A_140, %dma_start3A_145] : memref<512x32xf32, #tpu.memory_space<vmem>> -> memref<1x32xf32, #tpu.memory_space<vmem>>
      %dma_start3A_147 = arith.constant 0 : i32
      %dma_start3A_148 = tpu.memref_slice %arg2[%squeeze3A_136, %dma_start3A_147] : memref<1000001x32xf32, #tpu.memory_space<hbm>> -> memref<1x32xf32, #tpu.memory_space<hbm>>
      tpu.enqueue_dma source(%dma_start3A_148 : memref<1x32xf32, #tpu.memory_space<hbm>>) target(%dma_start3A_146 : memref<1x32xf32, #tpu.memory_space<vmem>>) target_semaphore(%arg16 : memref<!tpu.dma_semaphore, #tpu.memory_space<semaphore_mem>>)
      %slice3A_149 = vector.extract_strided_slice %get3A_53 {offsets = [7], sizes = [1], strides = [1]} : vector<16xi32> to vector<1xi32>
      %squeeze3A_150 = vector.extract %slice3A_149[0] : i32 from vector<1xi32>
      %mul3A_151 = arith.constant 16 : i32
      %mul3A_152 = arith.muli %scan3A_49, %mul3A_151 : i32
      %add3A_153 = arith.constant 7 : i32
      %add3A_154 = arith.addi %mul3A_152, %add3A_153 : i32
      %dma_start3A_155 = arith.constant 0 : i32
      %dma_start3A_156 = tpu.memref_slice %arg15[%add3A_154, %dma_start3A_155] : memref<512x32xf32, #tpu.memory_space<vmem>> -> memref<1x32xf32, #tpu.memory_space<vmem>>
      %dma_start3A_157 = arith.constant 0 : i32
      %dma_start3A_158 = tpu.memref_slice %arg2[%squeeze3A_150, %dma_start3A_157] : memref<1000001x32xf32, #tpu.memory_space<hbm>> -> memref<1x32xf32, #tpu.memory_space<hbm>>
      %dma_start3A_159 = arith.constant 0 : i32
      %dma_start3A_160 = tpu.memref_slice %arg15[%add3A_154, %dma_start3A_159] : memref<512x32xf32, #tpu.memory_space<vmem>> -> memref<1x32xf32, #tpu.memory_space<vmem>>
      %dma_start3A_161 = arith.constant 0 : i32
      %dma_start3A_162 = tpu.memref_slice %arg2[%squeeze3A_150, %dma_start3A_161] : memref<1000001x32xf32, #tpu.memory_space<hbm>> -> memref<1x32xf32, #tpu.memory_space<hbm>>
      tpu.enqueue_dma source(%dma_start3A_162 : memref<1x32xf32, #tpu.memory_space<hbm>>) target(%dma_start3A_160 : memref<1x32xf32, #tpu.memory_space<vmem>>) target_semaphore(%arg16 : memref<!tpu.dma_semaphore, #tpu.memory_space<semaphore_mem>>)
      %slice3A_163 = vector.extract_strided_slice %get3A_53 {offsets = [8], sizes = [1], strides = [1]} : vector<16xi32> to vector<1xi32>
      %squeeze3A_164 = vector.extract %slice3A_163[0] : i32 from vector<1xi32>
      %mul3A_165 = arith.constant 16 : i32
      %mul3A_166 = arith.muli %scan3A_49, %mul3A_165 : i32
      %add3A_167 = arith.constant 8 : i32
      %add3A_168 = arith.addi %mul3A_166, %add3A_167 : i32
      %dma_start3A_169 = arith.constant 0 : i32
      %dma_start3A_170 = tpu.memref_slice %arg15[%add3A_168, %dma_start3A_169] : memref<512x32xf32, #tpu.memory_space<vmem>> -> memref<1x32xf32, #tpu.memory_space<vmem>>
      %dma_start3A_171 = arith.constant 0 : i32
      %dma_start3A_172 = tpu.memref_slice %arg2[%squeeze3A_164, %dma_start3A_171] : memref<1000001x32xf32, #tpu.memory_space<hbm>> -> memref<1x32xf32, #tpu.memory_space<hbm>>
      %dma_start3A_173 = arith.constant 0 : i32
      %dma_start3A_174 = tpu.memref_slice %arg15[%add3A_168, %dma_start3A_173] : memref<512x32xf32, #tpu.memory_space<vmem>> -> memref<1x32xf32, #tpu.memory_space<vmem>>
      %dma_start3A_175 = arith.constant 0 : i32
      %dma_start3A_176 = tpu.memref_slice %arg2[%squeeze3A_164, %dma_start3A_175] : memref<1000001x32xf32, #tpu.memory_space<hbm>> -> memref<1x32xf32, #tpu.memory_space<hbm>>
      tpu.enqueue_dma source(%dma_start3A_176 : memref<1x32xf32, #tpu.memory_space<hbm>>) target(%dma_start3A_174 : memref<1x32xf32, #tpu.memory_space<vmem>>) target_semaphore(%arg16 : memref<!tpu.dma_semaphore, #tpu.memory_space<semaphore_mem>>)
      %slice3A_177 = vector.extract_strided_slice %get3A_53 {offsets = [9], sizes = [1], strides = [1]} : vector<16xi32> to vector<1xi32>
      %squeeze3A_178 = vector.extract %slice3A_177[0] : i32 from vector<1xi32>
      %mul3A_179 = arith.constant 16 : i32
      %mul3A_180 = arith.muli %scan3A_49, %mul3A_179 : i32
      %add3A_181 = arith.constant 9 : i32
      %add3A_182 = arith.addi %mul3A_180, %add3A_181 : i32
      %dma_start3A_183 = arith.constant 0 : i32
      %dma_start3A_184 = tpu.memref_slice %arg15[%add3A_182, %dma_start3A_183] : memref<512x32xf32, #tpu.memory_space<vmem>> -> memref<1x32xf32, #tpu.memory_space<vmem>>
      %dma_start3A_185 = arith.constant 0 : i32
      %dma_start3A_186 = tpu.memref_slice %arg2[%squeeze3A_178, %dma_start3A_185] : memref<1000001x32xf32, #tpu.memory_space<hbm>> -> memref<1x32xf32, #tpu.memory_space<hbm>>
      %dma_start3A_187 = arith.constant 0 : i32
      %dma_start3A_188 = tpu.memref_slice %arg15[%add3A_182, %dma_start3A_187] : memref<512x32xf32, #tpu.memory_space<vmem>> -> memref<1x32xf32, #tpu.memory_space<vmem>>
      %dma_start3A_189 = arith.constant 0 : i32
      %dma_start3A_190 = tpu.memref_slice %arg2[%squeeze3A_178, %dma_start3A_189] : memref<1000001x32xf32, #tpu.memory_space<hbm>> -> memref<1x32xf32, #tpu.memory_space<hbm>>
      tpu.enqueue_dma source(%dma_start3A_190 : memref<1x32xf32, #tpu.memory_space<hbm>>) target(%dma_start3A_188 : memref<1x32xf32, #tpu.memory_space<vmem>>) target_semaphore(%arg16 : memref<!tpu.dma_semaphore, #tpu.memory_space<semaphore_mem>>)
      %slice3A_191 = vector.extract_strided_slice %get3A_53 {offsets = [10], sizes = [1], strides = [1]} : vector<16xi32> to vector<1xi32>
      %squeeze3A_192 = vector.extract %slice3A_191[0] : i32 from vector<1xi32>
      %mul3A_193 = arith.constant 16 : i32
      %mul3A_194 = arith.muli %scan3A_49, %mul3A_193 : i32
      %add3A_195 = arith.constant 10 : i32
      %add3A_196 = arith.addi %mul3A_194, %add3A_195 : i32
      %dma_start3A_197 = arith.constant 0 : i32
      %dma_start3A_198 = tpu.memref_slice %arg15[%add3A_196, %dma_start3A_197] : memref<512x32xf32, #tpu.memory_space<vmem>> -> memref<1x32xf32, #tpu.memory_space<vmem>>
      %dma_start3A_199 = arith.constant 0 : i32
      %dma_start3A_200 = tpu.memref_slice %arg2[%squeeze3A_192, %dma_start3A_199] : memref<1000001x32xf32, #tpu.memory_space<hbm>> -> memref<1x32xf32, #tpu.memory_space<hbm>>
      %dma_start3A_201 = arith.constant 0 : i32
      %dma_start3A_202 = tpu.memref_slice %arg15[%add3A_196, %dma_start3A_201] : memref<512x32xf32, #tpu.memory_space<vmem>> -> memref<1x32xf32, #tpu.memory_space<vmem>>
      %dma_start3A_203 = arith.constant 0 : i32
      %dma_start3A_204 = tpu.memref_slice %arg2[%squeeze3A_192, %dma_start3A_203] : memref<1000001x32xf32, #tpu.memory_space<hbm>> -> memref<1x32xf32, #tpu.memory_space<hbm>>
      tpu.enqueue_dma source(%dma_start3A_204 : memref<1x32xf32, #tpu.memory_space<hbm>>) target(%dma_start3A_202 : memref<1x32xf32, #tpu.memory_space<vmem>>) target_semaphore(%arg16 : memref<!tpu.dma_semaphore, #tpu.memory_space<semaphore_mem>>)
      %slice3A_205 = vector.extract_strided_slice %get3A_53 {offsets = [11], sizes = [1], strides = [1]} : vector<16xi32> to vector<1xi32>
      %squeeze3A_206 = vector.extract %slice3A_205[0] : i32 from vector<1xi32>
      %mul3A_207 = arith.constant 16 : i32
      %mul3A_208 = arith.muli %scan3A_49, %mul3A_207 : i32
      %add3A_209 = arith.constant 11 : i32
      %add3A_210 = arith.addi %mul3A_208, %add3A_209 : i32
      %dma_start3A_211 = arith.constant 0 : i32
      %dma_start3A_212 = tpu.memref_slice %arg15[%add3A_210, %dma_start3A_211] : memref<512x32xf32, #tpu.memory_space<vmem>> -> memref<1x32xf32, #tpu.memory_space<vmem>>
      %dma_start3A_213 = arith.constant 0 : i32
      %dma_start3A_214 = tpu.memref_slice %arg2[%squeeze3A_206, %dma_start3A_213] : memref<1000001x32xf32, #tpu.memory_space<hbm>> -> memref<1x32xf32, #tpu.memory_space<hbm>>
      %dma_start3A_215 = arith.constant 0 : i32
      %dma_start3A_216 = tpu.memref_slice %arg15[%add3A_210, %dma_start3A_215] : memref<512x32xf32, #tpu.memory_space<vmem>> -> memref<1x32xf32, #tpu.memory_space<vmem>>
      %dma_start3A_217 = arith.constant 0 : i32
      %dma_start3A_218 = tpu.memref_slice %arg2[%squeeze3A_206, %dma_start3A_217] : memref<1000001x32xf32, #tpu.memory_space<hbm>> -> memref<1x32xf32, #tpu.memory_space<hbm>>
      tpu.enqueue_dma source(%dma_start3A_218 : memref<1x32xf32, #tpu.memory_space<hbm>>) target(%dma_start3A_216 : memref<1x32xf32, #tpu.memory_space<vmem>>) target_semaphore(%arg16 : memref<!tpu.dma_semaphore, #tpu.memory_space<semaphore_mem>>)
      %slice3A_219 = vector.extract_strided_slice %get3A_53 {offsets = [12], sizes = [1], strides = [1]} : vector<16xi32> to vector<1xi32>
      %squeeze3A_220 = vector.extract %slice3A_219[0] : i32 from vector<1xi32>
      %mul3A_221 = arith.constant 16 : i32
      %mul3A_222 = arith.muli %scan3A_49, %mul3A_221 : i32
      %add3A_223 = arith.constant 12 : i32
      %add3A_224 = arith.addi %mul3A_222, %add3A_223 : i32
      %dma_start3A_225 = arith.constant 0 : i32
      %dma_start3A_226 = tpu.memref_slice %arg15[%add3A_224, %dma_start3A_225] : memref<512x32xf32, #tpu.memory_space<vmem>> -> memref<1x32xf32, #tpu.memory_space<vmem>>
      %dma_start3A_227 = arith.constant 0 : i32
      %dma_start3A_228 = tpu.memref_slice %arg2[%squeeze3A_220, %dma_start3A_227] : memref<1000001x32xf32, #tpu.memory_space<hbm>> -> memref<1x32xf32, #tpu.memory_space<hbm>>
      %dma_start3A_229 = arith.constant 0 : i32
      %dma_start3A_230 = tpu.memref_slice %arg15[%add3A_224, %dma_start3A_229] : memref<512x32xf32, #tpu.memory_space<vmem>> -> memref<1x32xf32, #tpu.memory_space<vmem>>
      %dma_start3A_231 = arith.constant 0 : i32
      %dma_start3A_232 = tpu.memref_slice %arg2[%squeeze3A_220, %dma_start3A_231] : memref<1000001x32xf32, #tpu.memory_space<hbm>> -> memref<1x32xf32, #tpu.memory_space<hbm>>
      tpu.enqueue_dma source(%dma_start3A_232 : memref<1x32xf32, #tpu.memory_space<hbm>>) target(%dma_start3A_230 : memref<1x32xf32, #tpu.memory_space<vmem>>) target_semaphore(%arg16 : memref<!tpu.dma_semaphore, #tpu.memory_space<semaphore_mem>>)
      %slice3A_233 = vector.extract_strided_slice %get3A_53 {offsets = [13], sizes = [1], strides = [1]} : vector<16xi32> to vector<1xi32>
      %squeeze3A_234 = vector.extract %slice3A_233[0] : i32 from vector<1xi32>
      %mul3A_235 = arith.constant 16 : i32
      %mul3A_236 = arith.muli %scan3A_49, %mul3A_235 : i32
      %add3A_237 = arith.constant 13 : i32
      %add3A_238 = arith.addi %mul3A_236, %add3A_237 : i32
      %dma_start3A_239 = arith.constant 0 : i32
      %dma_start3A_240 = tpu.memref_slice %arg15[%add3A_238, %dma_start3A_239] : memref<512x32xf32, #tpu.memory_space<vmem>> -> memref<1x32xf32, #tpu.memory_space<vmem>>
      %dma_start3A_241 = arith.constant 0 : i32
      %dma_start3A_242 = tpu.memref_slice %arg2[%squeeze3A_234, %dma_start3A_241] : memref<1000001x32xf32, #tpu.memory_space<hbm>> -> memref<1x32xf32, #tpu.memory_space<hbm>>
      %dma_start3A_243 = arith.constant 0 : i32
      %dma_start3A_244 = tpu.memref_slice %arg15[%add3A_238, %dma_start3A_243] : memref<512x32xf32, #tpu.memory_space<vmem>> -> memref<1x32xf32, #tpu.memory_space<vmem>>
      %dma_start3A_245 = arith.constant 0 : i32
      %dma_start3A_246 = tpu.memref_slice %arg2[%squeeze3A_234, %dma_start3A_245] : memref<1000001x32xf32, #tpu.memory_space<hbm>> -> memref<1x32xf32, #tpu.memory_space<hbm>>
      tpu.enqueue_dma source(%dma_start3A_246 : memref<1x32xf32, #tpu.memory_space<hbm>>) target(%dma_start3A_244 : memref<1x32xf32, #tpu.memory_space<vmem>>) target_semaphore(%arg16 : memref<!tpu.dma_semaphore, #tpu.memory_space<semaphore_mem>>)
      %slice3A_247 = vector.extract_strided_slice %get3A_53 {offsets = [14], sizes = [1], strides = [1]} : vector<16xi32> to vector<1xi32>
      %squeeze3A_248 = vector.extract %slice3A_247[0] : i32 from vector<1xi32>
      %mul3A_249 = arith.constant 16 : i32
      %mul3A_250 = arith.muli %scan3A_49, %mul3A_249 : i32
      %add3A_251 = arith.constant 14 : i32
      %add3A_252 = arith.addi %mul3A_250, %add3A_251 : i32
      %dma_start3A_253 = arith.constant 0 : i32
      %dma_start3A_254 = tpu.memref_slice %arg15[%add3A_252, %dma_start3A_253] : memref<512x32xf32, #tpu.memory_space<vmem>> -> memref<1x32xf32, #tpu.memory_space<vmem>>
      %dma_start3A_255 = arith.constant 0 : i32
      %dma_start3A_256 = tpu.memref_slice %arg2[%squeeze3A_248, %dma_start3A_255] : memref<1000001x32xf32, #tpu.memory_space<hbm>> -> memref<1x32xf32, #tpu.memory_space<hbm>>
      %dma_start3A_257 = arith.constant 0 : i32
      %dma_start3A_258 = tpu.memref_slice %arg15[%add3A_252, %dma_start3A_257] : memref<512x32xf32, #tpu.memory_space<vmem>> -> memref<1x32xf32, #tpu.memory_space<vmem>>
      %dma_start3A_259 = arith.constant 0 : i32
      %dma_start3A_260 = tpu.memref_slice %arg2[%squeeze3A_248, %dma_start3A_259] : memref<1000001x32xf32, #tpu.memory_space<hbm>> -> memref<1x32xf32, #tpu.memory_space<hbm>>
      tpu.enqueue_dma source(%dma_start3A_260 : memref<1x32xf32, #tpu.memory_space<hbm>>) target(%dma_start3A_258 : memref<1x32xf32, #tpu.memory_space<vmem>>) target_semaphore(%arg16 : memref<!tpu.dma_semaphore, #tpu.memory_space<semaphore_mem>>)
      %slice3A_261 = vector.extract_strided_slice %get3A_53 {offsets = [15], sizes = [1], strides = [1]} : vector<16xi32> to vector<1xi32>
      %squeeze3A_262 = vector.extract %slice3A_261[0] : i32 from vector<1xi32>
      %mul3A_263 = arith.constant 16 : i32
      %mul3A_264 = arith.muli %scan3A_49, %mul3A_263 : i32
      %add3A_265 = arith.constant 15 : i32
      %add3A_266 = arith.addi %mul3A_264, %add3A_265 : i32
      %dma_start3A_267 = arith.constant 0 : i32
      %dma_start3A_268 = tpu.memref_slice %arg15[%add3A_266, %dma_start3A_267] : memref<512x32xf32, #tpu.memory_space<vmem>> -> memref<1x32xf32, #tpu.memory_space<vmem>>
      %dma_start3A_269 = arith.constant 0 : i32
      %dma_start3A_270 = tpu.memref_slice %arg2[%squeeze3A_262, %dma_start3A_269] : memref<1000001x32xf32, #tpu.memory_space<hbm>> -> memref<1x32xf32, #tpu.memory_space<hbm>>
      %dma_start3A_271 = arith.constant 0 : i32
      %dma_start3A_272 = tpu.memref_slice %arg15[%add3A_266, %dma_start3A_271] : memref<512x32xf32, #tpu.memory_space<vmem>> -> memref<1x32xf32, #tpu.memory_space<vmem>>
      %dma_start3A_273 = arith.constant 0 : i32
      %dma_start3A_274 = tpu.memref_slice %arg2[%squeeze3A_262, %dma_start3A_273] : memref<1000001x32xf32, #tpu.memory_space<hbm>> -> memref<1x32xf32, #tpu.memory_space<hbm>>
      tpu.enqueue_dma source(%dma_start3A_274 : memref<1x32xf32, #tpu.memory_space<hbm>>) target(%dma_start3A_272 : memref<1x32xf32, #tpu.memory_space<vmem>>) target_semaphore(%arg16 : memref<!tpu.dma_semaphore, #tpu.memory_space<semaphore_mem>>)
    }
    %scan3A_7 = arith.constant 32 : i32
    %dma_wait3A = arith.constant 0 : i32
    %dma_wait3A_8 = arith.constant 0 : i32
    %dma_wait3A_9 = tpu.memref_slice %arg2[%dma_wait3A, %dma_wait3A_8] : memref<1000001x32xf32, #tpu.memory_space<hbm>> -> memref<512x32xf32, #tpu.memory_space<hbm>>
    %dma_wait3A_10 = arith.constant 0 : i32
    %dma_wait3A_11 = arith.constant 0 : i32
    %dma_wait3A_12 = tpu.memref_slice %arg2[%dma_wait3A_10, %dma_wait3A_11] : memref<1000001x32xf32, #tpu.memory_space<hbm>> -> memref<512x32xf32, #tpu.memory_space<hbm>>
    tpu.wait_dma2 semaphore(%arg16 : memref<!tpu.dma_semaphore, #tpu.memory_space<semaphore_mem>>) src(%dma_wait3A_12 : memref<512x32xf32, #tpu.memory_space<hbm>>) dst(%arg15 : memref<512x32xf32, #tpu.memory_space<vmem>>)
    "tpu.region"() ({
      %run_scoped3A = tpu.sem_alloc : memref<!tpu.dma_semaphore, #tpu.memory_space<semaphore_mem>>
      %dma_start3A = arith.constant 0 : i32
      %dma_start3A_49 = tpu.memref_slice %arg10[%mul3A_2, %dma_start3A] : memref<16384x32xf32, #tpu.memory_space<hbm>> -> memref<512x32xf32, #tpu.memory_space<hbm>>
      %dma_start3A_50 = arith.constant 0 : i32
      %dma_start3A_51 = tpu.memref_slice %arg10[%mul3A_2, %dma_start3A_50] : memref<16384x32xf32, #tpu.memory_space<hbm>> -> memref<512x32xf32, #tpu.memory_space<hbm>>
      tpu.enqueue_dma source(%arg15 : memref<512x32xf32, #tpu.memory_space<vmem>>) target(%dma_start3A_51 : memref<512x32xf32, #tpu.memory_space<hbm>>) target_semaphore(%run_scoped3A : memref<!tpu.dma_semaphore, #tpu.memory_space<semaphore_mem>>)
      %dma_wait3A_52 = arith.constant 0 : i32
      %dma_wait3A_53 = tpu.memref_slice %arg10[%mul3A_2, %dma_wait3A_52] : memref<16384x32xf32, #tpu.memory_space<hbm>> -> memref<512x32xf32, #tpu.memory_space<hbm>>
      %dma_wait3A_54 = arith.constant 0 : i32
      %dma_wait3A_55 = tpu.memref_slice %arg10[%mul3A_2, %dma_wait3A_54] : memref<16384x32xf32, #tpu.memory_space<hbm>> -> memref<512x32xf32, #tpu.memory_space<hbm>>
      tpu.wait_dma2 semaphore(%run_scoped3A : memref<!tpu.dma_semaphore, #tpu.memory_space<semaphore_mem>>) src(%arg15 : memref<512x32xf32, #tpu.memory_space<vmem>>) dst(%dma_wait3A_55 : memref<512x32xf32, #tpu.memory_space<hbm>>)
      tpu.yield
    }) : () -> ()
    "tpu.region"() ({
      %run_scoped3A = tpu.sem_alloc : memref<!tpu.dma_semaphore, #tpu.memory_space<semaphore_mem>>
      %dma_start3A = tpu.memref_slice %arg7[%mul3A_2] : memref<16384xi32, #tpu.memory_space<hbm>> -> memref<512xi32, #tpu.memory_space<hbm>>
      %dma_start3A_49 = tpu.memref_slice %arg7[%mul3A_2] : memref<16384xi32, #tpu.memory_space<hbm>> -> memref<512xi32, #tpu.memory_space<hbm>>
      tpu.enqueue_dma source(%dma_start3A_49 : memref<512xi32, #tpu.memory_space<hbm>>) target(%arg14 : memref<512xi32, #tpu.memory_space<vmem>>) target_semaphore(%run_scoped3A : memref<!tpu.dma_semaphore, #tpu.memory_space<semaphore_mem>>)
      %dma_wait3A_50 = tpu.memref_slice %arg7[%mul3A_2] : memref<16384xi32, #tpu.memory_space<hbm>> -> memref<512xi32, #tpu.memory_space<hbm>>
      %dma_wait3A_51 = tpu.memref_slice %arg7[%mul3A_2] : memref<16384xi32, #tpu.memory_space<hbm>> -> memref<512xi32, #tpu.memory_space<hbm>>
      tpu.wait_dma2 semaphore(%run_scoped3A : memref<!tpu.dma_semaphore, #tpu.memory_space<semaphore_mem>>) src(%dma_wait3A_51 : memref<512xi32, #tpu.memory_space<hbm>>) dst(%arg14 : memref<512xi32, #tpu.memory_space<vmem>>)
      tpu.yield
    }) : () -> ()
    %scan3A_13 = arith.constant 0 : i32
    %scan3A_14 = arith.constant 0 : i32
    %scan3A_15 = arith.constant 32 : i32
    %scan3A_16 = arith.addi %scan3A_14, %scan3A_15 : i32
    %scan3A_17 = arith.constant 1 : i32
    scf.for %scan3A_49 = %scan3A_14 to %scan3A_16 step %scan3A_17  : i32 {
      %mul3A_50 = arith.constant 16 : i32
      %mul3A_51 = arith.muli %scan3A_49, %mul3A_50 : i32
      %get3A = arith.index_cast %mul3A_51 : i32 to index
      %get3A_52 = tpu.vector_load %arg14[%get3A] {strides = array<i32>} : memref<512xi32, #tpu.memory_space<vmem>>, vector<16xi32>,
      %get3A_53 = vector.shape_cast %get3A_52 : vector<16xi32> to vector<16xi32>
      %slice3A = vector.extract_strided_slice %get3A_53 {offsets = [0], sizes = [1], strides = [1]} : vector<16xi32> to vector<1xi32>
      %squeeze3A = vector.extract %slice3A[0] : i32 from vector<1xi32>
      %mul3A_54 = arith.constant 16 : i32
      %mul3A_55 = arith.muli %scan3A_49, %mul3A_54 : i32
      %add3A_56 = arith.constant 0 : i32
      %add3A_57 = arith.addi %mul3A_55, %add3A_56 : i32
      %dma_start3A = arith.constant 0 : i32
      %dma_start3A_58 = tpu.memref_slice %arg15[%add3A_57, %dma_start3A] : memref<512x32xf32, #tpu.memory_space<vmem>> -> memref<1x32xf32, #tpu.memory_space<vmem>>
      %dma_start3A_59 = arith.constant 0 : i32
      %dma_start3A_60 = tpu.memref_slice %arg3[%squeeze3A, %dma_start3A_59] : memref<1000001x32xf32, #tpu.memory_space<hbm>> -> memref<1x32xf32, #tpu.memory_space<hbm>>
      %dma_start3A_61 = arith.constant 0 : i32
      %dma_start3A_62 = tpu.memref_slice %arg15[%add3A_57, %dma_start3A_61] : memref<512x32xf32, #tpu.memory_space<vmem>> -> memref<1x32xf32, #tpu.memory_space<vmem>>
      %dma_start3A_63 = arith.constant 0 : i32
      %dma_start3A_64 = tpu.memref_slice %arg3[%squeeze3A, %dma_start3A_63] : memref<1000001x32xf32, #tpu.memory_space<hbm>> -> memref<1x32xf32, #tpu.memory_space<hbm>>
      tpu.enqueue_dma source(%dma_start3A_64 : memref<1x32xf32, #tpu.memory_space<hbm>>) target(%dma_start3A_62 : memref<1x32xf32, #tpu.memory_space<vmem>>) target_semaphore(%arg16 : memref<!tpu.dma_semaphore, #tpu.memory_space<semaphore_mem>>)
      %slice3A_65 = vector.extract_strided_slice %get3A_53 {offsets = [1], sizes = [1], strides = [1]} : vector<16xi32> to vector<1xi32>
      %squeeze3A_66 = vector.extract %slice3A_65[0] : i32 from vector<1xi32>
      %mul3A_67 = arith.constant 16 : i32
      %mul3A_68 = arith.muli %scan3A_49, %mul3A_67 : i32
      %add3A_69 = arith.constant 1 : i32
      %add3A_70 = arith.addi %mul3A_68, %add3A_69 : i32
      %dma_start3A_71 = arith.constant 0 : i32
      %dma_start3A_72 = tpu.memref_slice %arg15[%add3A_70, %dma_start3A_71] : memref<512x32xf32, #tpu.memory_space<vmem>> -> memref<1x32xf32, #tpu.memory_space<vmem>>
      %dma_start3A_73 = arith.constant 0 : i32
      %dma_start3A_74 = tpu.memref_slice %arg3[%squeeze3A_66, %dma_start3A_73] : memref<1000001x32xf32, #tpu.memory_space<hbm>> -> memref<1x32xf32, #tpu.memory_space<hbm>>
      %dma_start3A_75 = arith.constant 0 : i32
      %dma_start3A_76 = tpu.memref_slice %arg15[%add3A_70, %dma_start3A_75] : memref<512x32xf32, #tpu.memory_space<vmem>> -> memref<1x32xf32, #tpu.memory_space<vmem>>
      %dma_start3A_77 = arith.constant 0 : i32
      %dma_start3A_78 = tpu.memref_slice %arg3[%squeeze3A_66, %dma_start3A_77] : memref<1000001x32xf32, #tpu.memory_space<hbm>> -> memref<1x32xf32, #tpu.memory_space<hbm>>
      tpu.enqueue_dma source(%dma_start3A_78 : memref<1x32xf32, #tpu.memory_space<hbm>>) target(%dma_start3A_76 : memref<1x32xf32, #tpu.memory_space<vmem>>) target_semaphore(%arg16 : memref<!tpu.dma_semaphore, #tpu.memory_space<semaphore_mem>>)
      %slice3A_79 = vector.extract_strided_slice %get3A_53 {offsets = [2], sizes = [1], strides = [1]} : vector<16xi32> to vector<1xi32>
      %squeeze3A_80 = vector.extract %slice3A_79[0] : i32 from vector<1xi32>
      %mul3A_81 = arith.constant 16 : i32
      %mul3A_82 = arith.muli %scan3A_49, %mul3A_81 : i32
      %add3A_83 = arith.constant 2 : i32
      %add3A_84 = arith.addi %mul3A_82, %add3A_83 : i32
      %dma_start3A_85 = arith.constant 0 : i32
      %dma_start3A_86 = tpu.memref_slice %arg15[%add3A_84, %dma_start3A_85] : memref<512x32xf32, #tpu.memory_space<vmem>> -> memref<1x32xf32, #tpu.memory_space<vmem>>
      %dma_start3A_87 = arith.constant 0 : i32
      %dma_start3A_88 = tpu.memref_slice %arg3[%squeeze3A_80, %dma_start3A_87] : memref<1000001x32xf32, #tpu.memory_space<hbm>> -> memref<1x32xf32, #tpu.memory_space<hbm>>
      %dma_start3A_89 = arith.constant 0 : i32
      %dma_start3A_90 = tpu.memref_slice %arg15[%add3A_84, %dma_start3A_89] : memref<512x32xf32, #tpu.memory_space<vmem>> -> memref<1x32xf32, #tpu.memory_space<vmem>>
      %dma_start3A_91 = arith.constant 0 : i32
      %dma_start3A_92 = tpu.memref_slice %arg3[%squeeze3A_80, %dma_start3A_91] : memref<1000001x32xf32, #tpu.memory_space<hbm>> -> memref<1x32xf32, #tpu.memory_space<hbm>>
      tpu.enqueue_dma source(%dma_start3A_92 : memref<1x32xf32, #tpu.memory_space<hbm>>) target(%dma_start3A_90 : memref<1x32xf32, #tpu.memory_space<vmem>>) target_semaphore(%arg16 : memref<!tpu.dma_semaphore, #tpu.memory_space<semaphore_mem>>)
      %slice3A_93 = vector.extract_strided_slice %get3A_53 {offsets = [3], sizes = [1], strides = [1]} : vector<16xi32> to vector<1xi32>
      %squeeze3A_94 = vector.extract %slice3A_93[0] : i32 from vector<1xi32>
      %mul3A_95 = arith.constant 16 : i32
      %mul3A_96 = arith.muli %scan3A_49, %mul3A_95 : i32
      %add3A_97 = arith.constant 3 : i32
      %add3A_98 = arith.addi %mul3A_96, %add3A_97 : i32
      %dma_start3A_99 = arith.constant 0 : i32
      %dma_start3A_100 = tpu.memref_slice %arg15[%add3A_98, %dma_start3A_99] : memref<512x32xf32, #tpu.memory_space<vmem>> -> memref<1x32xf32, #tpu.memory_space<vmem>>
      %dma_start3A_101 = arith.constant 0 : i32
      %dma_start3A_102 = tpu.memref_slice %arg3[%squeeze3A_94, %dma_start3A_101] : memref<1000001x32xf32, #tpu.memory_space<hbm>> -> memref<1x32xf32, #tpu.memory_space<hbm>>
      %dma_start3A_103 = arith.constant 0 : i32
      %dma_start3A_104 = tpu.memref_slice %arg15[%add3A_98, %dma_start3A_103] : memref<512x32xf32, #tpu.memory_space<vmem>> -> memref<1x32xf32, #tpu.memory_space<vmem>>
      %dma_start3A_105 = arith.constant 0 : i32
      %dma_start3A_106 = tpu.memref_slice %arg3[%squeeze3A_94, %dma_start3A_105] : memref<1000001x32xf32, #tpu.memory_space<hbm>> -> memref<1x32xf32, #tpu.memory_space<hbm>>
      tpu.enqueue_dma source(%dma_start3A_106 : memref<1x32xf32, #tpu.memory_space<hbm>>) target(%dma_start3A_104 : memref<1x32xf32, #tpu.memory_space<vmem>>) target_semaphore(%arg16 : memref<!tpu.dma_semaphore, #tpu.memory_space<semaphore_mem>>)
      %slice3A_107 = vector.extract_strided_slice %get3A_53 {offsets = [4], sizes = [1], strides = [1]} : vector<16xi32> to vector<1xi32>
      %squeeze3A_108 = vector.extract %slice3A_107[0] : i32 from vector<1xi32>
      %mul3A_109 = arith.constant 16 : i32
      %mul3A_110 = arith.muli %scan3A_49, %mul3A_109 : i32
      %add3A_111 = arith.constant 4 : i32
      %add3A_112 = arith.addi %mul3A_110, %add3A_111 : i32
      %dma_start3A_113 = arith.constant 0 : i32
      %dma_start3A_114 = tpu.memref_slice %arg15[%add3A_112, %dma_start3A_113] : memref<512x32xf32, #tpu.memory_space<vmem>> -> memref<1x32xf32, #tpu.memory_space<vmem>>
      %dma_start3A_115 = arith.constant 0 : i32
      %dma_start3A_116 = tpu.memref_slice %arg3[%squeeze3A_108, %dma_start3A_115] : memref<1000001x32xf32, #tpu.memory_space<hbm>> -> memref<1x32xf32, #tpu.memory_space<hbm>>
      %dma_start3A_117 = arith.constant 0 : i32
      %dma_start3A_118 = tpu.memref_slice %arg15[%add3A_112, %dma_start3A_117] : memref<512x32xf32, #tpu.memory_space<vmem>> -> memref<1x32xf32, #tpu.memory_space<vmem>>
      %dma_start3A_119 = arith.constant 0 : i32
      %dma_start3A_120 = tpu.memref_slice %arg3[%squeeze3A_108, %dma_start3A_119] : memref<1000001x32xf32, #tpu.memory_space<hbm>> -> memref<1x32xf32, #tpu.memory_space<hbm>>
      tpu.enqueue_dma source(%dma_start3A_120 : memref<1x32xf32, #tpu.memory_space<hbm>>) target(%dma_start3A_118 : memref<1x32xf32, #tpu.memory_space<vmem>>) target_semaphore(%arg16 : memref<!tpu.dma_semaphore, #tpu.memory_space<semaphore_mem>>)
      %slice3A_121 = vector.extract_strided_slice %get3A_53 {offsets = [5], sizes = [1], strides = [1]} : vector<16xi32> to vector<1xi32>
      %squeeze3A_122 = vector.extract %slice3A_121[0] : i32 from vector<1xi32>
      %mul3A_123 = arith.constant 16 : i32
      %mul3A_124 = arith.muli %scan3A_49, %mul3A_123 : i32
      %add3A_125 = arith.constant 5 : i32
      %add3A_126 = arith.addi %mul3A_124, %add3A_125 : i32
      %dma_start3A_127 = arith.constant 0 : i32
      %dma_start3A_128 = tpu.memref_slice %arg15[%add3A_126, %dma_start3A_127] : memref<512x32xf32, #tpu.memory_space<vmem>> -> memref<1x32xf32, #tpu.memory_space<vmem>>
      %dma_start3A_129 = arith.constant 0 : i32
      %dma_start3A_130 = tpu.memref_slice %arg3[%squeeze3A_122, %dma_start3A_129] : memref<1000001x32xf32, #tpu.memory_space<hbm>> -> memref<1x32xf32, #tpu.memory_space<hbm>>
      %dma_start3A_131 = arith.constant 0 : i32
      %dma_start3A_132 = tpu.memref_slice %arg15[%add3A_126, %dma_start3A_131] : memref<512x32xf32, #tpu.memory_space<vmem>> -> memref<1x32xf32, #tpu.memory_space<vmem>>
      %dma_start3A_133 = arith.constant 0 : i32
      %dma_start3A_134 = tpu.memref_slice %arg3[%squeeze3A_122, %dma_start3A_133] : memref<1000001x32xf32, #tpu.memory_space<hbm>> -> memref<1x32xf32, #tpu.memory_space<hbm>>
      tpu.enqueue_dma source(%dma_start3A_134 : memref<1x32xf32, #tpu.memory_space<hbm>>) target(%dma_start3A_132 : memref<1x32xf32, #tpu.memory_space<vmem>>) target_semaphore(%arg16 : memref<!tpu.dma_semaphore, #tpu.memory_space<semaphore_mem>>)
      %slice3A_135 = vector.extract_strided_slice %get3A_53 {offsets = [6], sizes = [1], strides = [1]} : vector<16xi32> to vector<1xi32>
      %squeeze3A_136 = vector.extract %slice3A_135[0] : i32 from vector<1xi32>
      %mul3A_137 = arith.constant 16 : i32
      %mul3A_138 = arith.muli %scan3A_49, %mul3A_137 : i32
      %add3A_139 = arith.constant 6 : i32
      %add3A_140 = arith.addi %mul3A_138, %add3A_139 : i32
      %dma_start3A_141 = arith.constant 0 : i32
      %dma_start3A_142 = tpu.memref_slice %arg15[%add3A_140, %dma_start3A_141] : memref<512x32xf32, #tpu.memory_space<vmem>> -> memref<1x32xf32, #tpu.memory_space<vmem>>
      %dma_start3A_143 = arith.constant 0 : i32
      %dma_start3A_144 = tpu.memref_slice %arg3[%squeeze3A_136, %dma_start3A_143] : memref<1000001x32xf32, #tpu.memory_space<hbm>> -> memref<1x32xf32, #tpu.memory_space<hbm>>
      %dma_start3A_145 = arith.constant 0 : i32
      %dma_start3A_146 = tpu.memref_slice %arg15[%add3A_140, %dma_start3A_145] : memref<512x32xf32, #tpu.memory_space<vmem>> -> memref<1x32xf32, #tpu.memory_space<vmem>>
      %dma_start3A_147 = arith.constant 0 : i32
      %dma_start3A_148 = tpu.memref_slice %arg3[%squeeze3A_136, %dma_start3A_147] : memref<1000001x32xf32, #tpu.memory_space<hbm>> -> memref<1x32xf32, #tpu.memory_space<hbm>>
      tpu.enqueue_dma source(%dma_start3A_148 : memref<1x32xf32, #tpu.memory_space<hbm>>) target(%dma_start3A_146 : memref<1x32xf32, #tpu.memory_space<vmem>>) target_semaphore(%arg16 : memref<!tpu.dma_semaphore, #tpu.memory_space<semaphore_mem>>)
      %slice3A_149 = vector.extract_strided_slice %get3A_53 {offsets = [7], sizes = [1], strides = [1]} : vector<16xi32> to vector<1xi32>
      %squeeze3A_150 = vector.extract %slice3A_149[0] : i32 from vector<1xi32>
      %mul3A_151 = arith.constant 16 : i32
      %mul3A_152 = arith.muli %scan3A_49, %mul3A_151 : i32
      %add3A_153 = arith.constant 7 : i32
      %add3A_154 = arith.addi %mul3A_152, %add3A_153 : i32
      %dma_start3A_155 = arith.constant 0 : i32
      %dma_start3A_156 = tpu.memref_slice %arg15[%add3A_154, %dma_start3A_155] : memref<512x32xf32, #tpu.memory_space<vmem>> -> memref<1x32xf32, #tpu.memory_space<vmem>>
      %dma_start3A_157 = arith.constant 0 : i32
      %dma_start3A_158 = tpu.memref_slice %arg3[%squeeze3A_150, %dma_start3A_157] : memref<1000001x32xf32, #tpu.memory_space<hbm>> -> memref<1x32xf32, #tpu.memory_space<hbm>>
      %dma_start3A_159 = arith.constant 0 : i32
      %dma_start3A_160 = tpu.memref_slice %arg15[%add3A_154, %dma_start3A_159] : memref<512x32xf32, #tpu.memory_space<vmem>> -> memref<1x32xf32, #tpu.memory_space<vmem>>
      %dma_start3A_161 = arith.constant 0 : i32
      %dma_start3A_162 = tpu.memref_slice %arg3[%squeeze3A_150, %dma_start3A_161] : memref<1000001x32xf32, #tpu.memory_space<hbm>> -> memref<1x32xf32, #tpu.memory_space<hbm>>
      tpu.enqueue_dma source(%dma_start3A_162 : memref<1x32xf32, #tpu.memory_space<hbm>>) target(%dma_start3A_160 : memref<1x32xf32, #tpu.memory_space<vmem>>) target_semaphore(%arg16 : memref<!tpu.dma_semaphore, #tpu.memory_space<semaphore_mem>>)
      %slice3A_163 = vector.extract_strided_slice %get3A_53 {offsets = [8], sizes = [1], strides = [1]} : vector<16xi32> to vector<1xi32>
      %squeeze3A_164 = vector.extract %slice3A_163[0] : i32 from vector<1xi32>
      %mul3A_165 = arith.constant 16 : i32
      %mul3A_166 = arith.muli %scan3A_49, %mul3A_165 : i32
      %add3A_167 = arith.constant 8 : i32
      %add3A_168 = arith.addi %mul3A_166, %add3A_167 : i32
      %dma_start3A_169 = arith.constant 0 : i32
      %dma_start3A_170 = tpu.memref_slice %arg15[%add3A_168, %dma_start3A_169] : memref<512x32xf32, #tpu.memory_space<vmem>> -> memref<1x32xf32, #tpu.memory_space<vmem>>
      %dma_start3A_171 = arith.constant 0 : i32
      %dma_start3A_172 = tpu.memref_slice %arg3[%squeeze3A_164, %dma_start3A_171] : memref<1000001x32xf32, #tpu.memory_space<hbm>> -> memref<1x32xf32, #tpu.memory_space<hbm>>
      %dma_start3A_173 = arith.constant 0 : i32
      %dma_start3A_174 = tpu.memref_slice %arg15[%add3A_168, %dma_start3A_173] : memref<512x32xf32, #tpu.memory_space<vmem>> -> memref<1x32xf32, #tpu.memory_space<vmem>>
      %dma_start3A_175 = arith.constant 0 : i32
      %dma_start3A_176 = tpu.memref_slice %arg3[%squeeze3A_164, %dma_start3A_175] : memref<1000001x32xf32, #tpu.memory_space<hbm>> -> memref<1x32xf32, #tpu.memory_space<hbm>>
      tpu.enqueue_dma source(%dma_start3A_176 : memref<1x32xf32, #tpu.memory_space<hbm>>) target(%dma_start3A_174 : memref<1x32xf32, #tpu.memory_space<vmem>>) target_semaphore(%arg16 : memref<!tpu.dma_semaphore, #tpu.memory_space<semaphore_mem>>)
      %slice3A_177 = vector.extract_strided_slice %get3A_53 {offsets = [9], sizes = [1], strides = [1]} : vector<16xi32> to vector<1xi32>
      %squeeze3A_178 = vector.extract %slice3A_177[0] : i32 from vector<1xi32>
      %mul3A_179 = arith.constant 16 : i32
      %mul3A_180 = arith.muli %scan3A_49, %mul3A_179 : i32
      %add3A_181 = arith.constant 9 : i32
      %add3A_182 = arith.addi %mul3A_180, %add3A_181 : i32
      %dma_start3A_183 = arith.constant 0 : i32
      %dma_start3A_184 = tpu.memref_slice %arg15[%add3A_182, %dma_start3A_183] : memref<512x32xf32, #tpu.memory_space<vmem>> -> memref<1x32xf32, #tpu.memory_space<vmem>>
      %dma_start3A_185 = arith.constant 0 : i32
      %dma_start3A_186 = tpu.memref_slice %arg3[%squeeze3A_178, %dma_start3A_185] : memref<1000001x32xf32, #tpu.memory_space<hbm>> -> memref<1x32xf32, #tpu.memory_space<hbm>>
      %dma_start3A_187 = arith.constant 0 : i32
      %dma_start3A_188 = tpu.memref_slice %arg15[%add3A_182, %dma_start3A_187] : memref<512x32xf32, #tpu.memory_space<vmem>> -> memref<1x32xf32, #tpu.memory_space<vmem>>
      %dma_start3A_189 = arith.constant 0 : i32
      %dma_start3A_190 = tpu.memref_slice %arg3[%squeeze3A_178, %dma_start3A_189] : memref<1000001x32xf32, #tpu.memory_space<hbm>> -> memref<1x32xf32, #tpu.memory_space<hbm>>
      tpu.enqueue_dma source(%dma_start3A_190 : memref<1x32xf32, #tpu.memory_space<hbm>>) target(%dma_start3A_188 : memref<1x32xf32, #tpu.memory_space<vmem>>) target_semaphore(%arg16 : memref<!tpu.dma_semaphore, #tpu.memory_space<semaphore_mem>>)
      %slice3A_191 = vector.extract_strided_slice %get3A_53 {offsets = [10], sizes = [1], strides = [1]} : vector<16xi32> to vector<1xi32>
      %squeeze3A_192 = vector.extract %slice3A_191[0] : i32 from vector<1xi32>
      %mul3A_193 = arith.constant 16 : i32
      %mul3A_194 = arith.muli %scan3A_49, %mul3A_193 : i32
      %add3A_195 = arith.constant 10 : i32
      %add3A_196 = arith.addi %mul3A_194, %add3A_195 : i32
      %dma_start3A_197 = arith.constant 0 : i32
      %dma_start3A_198 = tpu.memref_slice %arg15[%add3A_196, %dma_start3A_197] : memref<512x32xf32, #tpu.memory_space<vmem>> -> memref<1x32xf32, #tpu.memory_space<vmem>>
      %dma_start3A_199 = arith.constant 0 : i32
      %dma_start3A_200 = tpu.memref_slice %arg3[%squeeze3A_192, %dma_start3A_199] : memref<1000001x32xf32, #tpu.memory_space<hbm>> -> memref<1x32xf32, #tpu.memory_space<hbm>>
      %dma_start3A_201 = arith.constant 0 : i32
      %dma_start3A_202 = tpu.memref_slice %arg15[%add3A_196, %dma_start3A_201] : memref<512x32xf32, #tpu.memory_space<vmem>> -> memref<1x32xf32, #tpu.memory_space<vmem>>
      %dma_start3A_203 = arith.constant 0 : i32
      %dma_start3A_204 = tpu.memref_slice %arg3[%squeeze3A_192, %dma_start3A_203] : memref<1000001x32xf32, #tpu.memory_space<hbm>> -> memref<1x32xf32, #tpu.memory_space<hbm>>
      tpu.enqueue_dma source(%dma_start3A_204 : memref<1x32xf32, #tpu.memory_space<hbm>>) target(%dma_start3A_202 : memref<1x32xf32, #tpu.memory_space<vmem>>) target_semaphore(%arg16 : memref<!tpu.dma_semaphore, #tpu.memory_space<semaphore_mem>>)
      %slice3A_205 = vector.extract_strided_slice %get3A_53 {offsets = [11], sizes = [1], strides = [1]} : vector<16xi32> to vector<1xi32>
      %squeeze3A_206 = vector.extract %slice3A_205[0] : i32 from vector<1xi32>
      %mul3A_207 = arith.constant 16 : i32
      %mul3A_208 = arith.muli %scan3A_49, %mul3A_207 : i32
      %add3A_209 = arith.constant 11 : i32
      %add3A_210 = arith.addi %mul3A_208, %add3A_209 : i32
      %dma_start3A_211 = arith.constant 0 : i32
      %dma_start3A_212 = tpu.memref_slice %arg15[%add3A_210, %dma_start3A_211] : memref<512x32xf32, #tpu.memory_space<vmem>> -> memref<1x32xf32, #tpu.memory_space<vmem>>
      %dma_start3A_213 = arith.constant 0 : i32
      %dma_start3A_214 = tpu.memref_slice %arg3[%squeeze3A_206, %dma_start3A_213] : memref<1000001x32xf32, #tpu.memory_space<hbm>> -> memref<1x32xf32, #tpu.memory_space<hbm>>
      %dma_start3A_215 = arith.constant 0 : i32
      %dma_start3A_216 = tpu.memref_slice %arg15[%add3A_210, %dma_start3A_215] : memref<512x32xf32, #tpu.memory_space<vmem>> -> memref<1x32xf32, #tpu.memory_space<vmem>>
      %dma_start3A_217 = arith.constant 0 : i32
      %dma_start3A_218 = tpu.memref_slice %arg3[%squeeze3A_206, %dma_start3A_217] : memref<1000001x32xf32, #tpu.memory_space<hbm>> -> memref<1x32xf32, #tpu.memory_space<hbm>>
      tpu.enqueue_dma source(%dma_start3A_218 : memref<1x32xf32, #tpu.memory_space<hbm>>) target(%dma_start3A_216 : memref<1x32xf32, #tpu.memory_space<vmem>>) target_semaphore(%arg16 : memref<!tpu.dma_semaphore, #tpu.memory_space<semaphore_mem>>)
      %slice3A_219 = vector.extract_strided_slice %get3A_53 {offsets = [12], sizes = [1], strides = [1]} : vector<16xi32> to vector<1xi32>
      %squeeze3A_220 = vector.extract %slice3A_219[0] : i32 from vector<1xi32>
      %mul3A_221 = arith.constant 16 : i32
      %mul3A_222 = arith.muli %scan3A_49, %mul3A_221 : i32
      %add3A_223 = arith.constant 12 : i32
      %add3A_224 = arith.addi %mul3A_222, %add3A_223 : i32
      %dma_start3A_225 = arith.constant 0 : i32
      %dma_start3A_226 = tpu.memref_slice %arg15[%add3A_224, %dma_start3A_225] : memref<512x32xf32, #tpu.memory_space<vmem>> -> memref<1x32xf32, #tpu.memory_space<vmem>>
      %dma_start3A_227 = arith.constant 0 : i32
      %dma_start3A_228 = tpu.memref_slice %arg3[%squeeze3A_220, %dma_start3A_227] : memref<1000001x32xf32, #tpu.memory_space<hbm>> -> memref<1x32xf32, #tpu.memory_space<hbm>>
      %dma_start3A_229 = arith.constant 0 : i32
      %dma_start3A_230 = tpu.memref_slice %arg15[%add3A_224, %dma_start3A_229] : memref<512x32xf32, #tpu.memory_space<vmem>> -> memref<1x32xf32, #tpu.memory_space<vmem>>
      %dma_start3A_231 = arith.constant 0 : i32
      %dma_start3A_232 = tpu.memref_slice %arg3[%squeeze3A_220, %dma_start3A_231] : memref<1000001x32xf32, #tpu.memory_space<hbm>> -> memref<1x32xf32, #tpu.memory_space<hbm>>
      tpu.enqueue_dma source(%dma_start3A_232 : memref<1x32xf32, #tpu.memory_space<hbm>>) target(%dma_start3A_230 : memref<1x32xf32, #tpu.memory_space<vmem>>) target_semaphore(%arg16 : memref<!tpu.dma_semaphore, #tpu.memory_space<semaphore_mem>>)
      %slice3A_233 = vector.extract_strided_slice %get3A_53 {offsets = [13], sizes = [1], strides = [1]} : vector<16xi32> to vector<1xi32>
      %squeeze3A_234 = vector.extract %slice3A_233[0] : i32 from vector<1xi32>
      %mul3A_235 = arith.constant 16 : i32
      %mul3A_236 = arith.muli %scan3A_49, %mul3A_235 : i32
      %add3A_237 = arith.constant 13 : i32
      %add3A_238 = arith.addi %mul3A_236, %add3A_237 : i32
      %dma_start3A_239 = arith.constant 0 : i32
      %dma_start3A_240 = tpu.memref_slice %arg15[%add3A_238, %dma_start3A_239] : memref<512x32xf32, #tpu.memory_space<vmem>> -> memref<1x32xf32, #tpu.memory_space<vmem>>
      %dma_start3A_241 = arith.constant 0 : i32
      %dma_start3A_242 = tpu.memref_slice %arg3[%squeeze3A_234, %dma_start3A_241] : memref<1000001x32xf32, #tpu.memory_space<hbm>> -> memref<1x32xf32, #tpu.memory_space<hbm>>
      %dma_start3A_243 = arith.constant 0 : i32
      %dma_start3A_244 = tpu.memref_slice %arg15[%add3A_238, %dma_start3A_243] : memref<512x32xf32, #tpu.memory_space<vmem>> -> memref<1x32xf32, #tpu.memory_space<vmem>>
      %dma_start3A_245 = arith.constant 0 : i32
      %dma_start3A_246 = tpu.memref_slice %arg3[%squeeze3A_234, %dma_start3A_245] : memref<1000001x32xf32, #tpu.memory_space<hbm>> -> memref<1x32xf32, #tpu.memory_space<hbm>>
      tpu.enqueue_dma source(%dma_start3A_246 : memref<1x32xf32, #tpu.memory_space<hbm>>) target(%dma_start3A_244 : memref<1x32xf32, #tpu.memory_space<vmem>>) target_semaphore(%arg16 : memref<!tpu.dma_semaphore, #tpu.memory_space<semaphore_mem>>)
      %slice3A_247 = vector.extract_strided_slice %get3A_53 {offsets = [14], sizes = [1], strides = [1]} : vector<16xi32> to vector<1xi32>
      %squeeze3A_248 = vector.extract %slice3A_247[0] : i32 from vector<1xi32>
      %mul3A_249 = arith.constant 16 : i32
      %mul3A_250 = arith.muli %scan3A_49, %mul3A_249 : i32
      %add3A_251 = arith.constant 14 : i32
      %add3A_252 = arith.addi %mul3A_250, %add3A_251 : i32
      %dma_start3A_253 = arith.constant 0 : i32
      %dma_start3A_254 = tpu.memref_slice %arg15[%add3A_252, %dma_start3A_253] : memref<512x32xf32, #tpu.memory_space<vmem>> -> memref<1x32xf32, #tpu.memory_space<vmem>>
      %dma_start3A_255 = arith.constant 0 : i32
      %dma_start3A_256 = tpu.memref_slice %arg3[%squeeze3A_248, %dma_start3A_255] : memref<1000001x32xf32, #tpu.memory_space<hbm>> -> memref<1x32xf32, #tpu.memory_space<hbm>>
      %dma_start3A_257 = arith.constant 0 : i32
      %dma_start3A_258 = tpu.memref_slice %arg15[%add3A_252, %dma_start3A_257] : memref<512x32xf32, #tpu.memory_space<vmem>> -> memref<1x32xf32, #tpu.memory_space<vmem>>
      %dma_start3A_259 = arith.constant 0 : i32
      %dma_start3A_260 = tpu.memref_slice %arg3[%squeeze3A_248, %dma_start3A_259] : memref<1000001x32xf32, #tpu.memory_space<hbm>> -> memref<1x32xf32, #tpu.memory_space<hbm>>
      tpu.enqueue_dma source(%dma_start3A_260 : memref<1x32xf32, #tpu.memory_space<hbm>>) target(%dma_start3A_258 : memref<1x32xf32, #tpu.memory_space<vmem>>) target_semaphore(%arg16 : memref<!tpu.dma_semaphore, #tpu.memory_space<semaphore_mem>>)
      %slice3A_261 = vector.extract_strided_slice %get3A_53 {offsets = [15], sizes = [1], strides = [1]} : vector<16xi32> to vector<1xi32>
      %squeeze3A_262 = vector.extract %slice3A_261[0] : i32 from vector<1xi32>
      %mul3A_263 = arith.constant 16 : i32
      %mul3A_264 = arith.muli %scan3A_49, %mul3A_263 : i32
      %add3A_265 = arith.constant 15 : i32
      %add3A_266 = arith.addi %mul3A_264, %add3A_265 : i32
      %dma_start3A_267 = arith.constant 0 : i32
      %dma_start3A_268 = tpu.memref_slice %arg15[%add3A_266, %dma_start3A_267] : memref<512x32xf32, #tpu.memory_space<vmem>> -> memref<1x32xf32, #tpu.memory_space<vmem>>
      %dma_start3A_269 = arith.constant 0 : i32
      %dma_start3A_270 = tpu.memref_slice %arg3[%squeeze3A_262, %dma_start3A_269] : memref<1000001x32xf32, #tpu.memory_space<hbm>> -> memref<1x32xf32, #tpu.memory_space<hbm>>
      %dma_start3A_271 = arith.constant 0 : i32
      %dma_start3A_272 = tpu.memref_slice %arg15[%add3A_266, %dma_start3A_271] : memref<512x32xf32, #tpu.memory_space<vmem>> -> memref<1x32xf32, #tpu.memory_space<vmem>>
      %dma_start3A_273 = arith.constant 0 : i32
      %dma_start3A_274 = tpu.memref_slice %arg3[%squeeze3A_262, %dma_start3A_273] : memref<1000001x32xf32, #tpu.memory_space<hbm>> -> memref<1x32xf32, #tpu.memory_space<hbm>>
      tpu.enqueue_dma source(%dma_start3A_274 : memref<1x32xf32, #tpu.memory_space<hbm>>) target(%dma_start3A_272 : memref<1x32xf32, #tpu.memory_space<vmem>>) target_semaphore(%arg16 : memref<!tpu.dma_semaphore, #tpu.memory_space<semaphore_mem>>)
    }
    %scan3A_18 = arith.constant 32 : i32
    %dma_wait3A_19 = arith.constant 0 : i32
    %dma_wait3A_20 = arith.constant 0 : i32
    %dma_wait3A_21 = tpu.memref_slice %arg3[%dma_wait3A_19, %dma_wait3A_20] : memref<1000001x32xf32, #tpu.memory_space<hbm>> -> memref<512x32xf32, #tpu.memory_space<hbm>>
    %dma_wait3A_22 = arith.constant 0 : i32
    %dma_wait3A_23 = arith.constant 0 : i32
    %dma_wait3A_24 = tpu.memref_slice %arg3[%dma_wait3A_22, %dma_wait3A_23] : memref<1000001x32xf32, #tpu.memory_space<hbm>> -> memref<512x32xf32, #tpu.memory_space<hbm>>
    tpu.wait_dma2 semaphore(%arg16 : memref<!tpu.dma_semaphore, #tpu.memory_space<semaphore_mem>>) src(%dma_wait3A_24 : memref<512x32xf32, #tpu.memory_space<hbm>>) dst(%arg15 : memref<512x32xf32, #tpu.memory_space<vmem>>)
    "tpu.region"() ({
      %run_scoped3A = tpu.sem_alloc : memref<!tpu.dma_semaphore, #tpu.memory_space<semaphore_mem>>
      %dma_start3A = arith.constant 0 : i32
      %dma_start3A_49 = tpu.memref_slice %arg11[%mul3A_2, %dma_start3A] : memref<16384x32xf32, #tpu.memory_space<hbm>> -> memref<512x32xf32, #tpu.memory_space<hbm>>
      %dma_start3A_50 = arith.constant 0 : i32
      %dma_start3A_51 = tpu.memref_slice %arg11[%mul3A_2, %dma_start3A_50] : memref<16384x32xf32, #tpu.memory_space<hbm>> -> memref<512x32xf32, #tpu.memory_space<hbm>>
      tpu.enqueue_dma source(%arg15 : memref<512x32xf32, #tpu.memory_space<vmem>>) target(%dma_start3A_51 : memref<512x32xf32, #tpu.memory_space<hbm>>) target_semaphore(%run_scoped3A : memref<!tpu.dma_semaphore, #tpu.memory_space<semaphore_mem>>)
      %dma_wait3A_52 = arith.constant 0 : i32
      %dma_wait3A_53 = tpu.memref_slice %arg11[%mul3A_2, %dma_wait3A_52] : memref<16384x32xf32, #tpu.memory_space<hbm>> -> memref<512x32xf32, #tpu.memory_space<hbm>>
      %dma_wait3A_54 = arith.constant 0 : i32
      %dma_wait3A_55 = tpu.memref_slice %arg11[%mul3A_2, %dma_wait3A_54] : memref<16384x32xf32, #tpu.memory_space<hbm>> -> memref<512x32xf32, #tpu.memory_space<hbm>>
      tpu.wait_dma2 semaphore(%run_scoped3A : memref<!tpu.dma_semaphore, #tpu.memory_space<semaphore_mem>>) src(%arg15 : memref<512x32xf32, #tpu.memory_space<vmem>>) dst(%dma_wait3A_55 : memref<512x32xf32, #tpu.memory_space<hbm>>)
      tpu.yield
    }) : () -> ()
    "tpu.region"() ({
      %run_scoped3A = tpu.sem_alloc : memref<!tpu.dma_semaphore, #tpu.memory_space<semaphore_mem>>
      %dma_start3A = tpu.memref_slice %arg8[%mul3A_2] : memref<16384xi32, #tpu.memory_space<hbm>> -> memref<512xi32, #tpu.memory_space<hbm>>
      %dma_start3A_49 = tpu.memref_slice %arg8[%mul3A_2] : memref<16384xi32, #tpu.memory_space<hbm>> -> memref<512xi32, #tpu.memory_space<hbm>>
      tpu.enqueue_dma source(%dma_start3A_49 : memref<512xi32, #tpu.memory_space<hbm>>) target(%arg14 : memref<512xi32, #tpu.memory_space<vmem>>) target_semaphore(%run_scoped3A : memref<!tpu.dma_semaphore, #tpu.memory_space<semaphore_mem>>)
      %dma_wait3A_50 = tpu.memref_slice %arg8[%mul3A_2] : memref<16384xi32, #tpu.memory_space<hbm>> -> memref<512xi32, #tpu.memory_space<hbm>>
      %dma_wait3A_51 = tpu.memref_slice %arg8[%mul3A_2] : memref<16384xi32, #tpu.memory_space<hbm>> -> memref<512xi32, #tpu.memory_space<hbm>>
      tpu.wait_dma2 semaphore(%run_scoped3A : memref<!tpu.dma_semaphore, #tpu.memory_space<semaphore_mem>>) src(%dma_wait3A_51 : memref<512xi32, #tpu.memory_space<hbm>>) dst(%arg14 : memref<512xi32, #tpu.memory_space<vmem>>)
      tpu.yield
    }) : () -> ()
    %scan3A_25 = arith.constant 0 : i32
    %scan3A_26 = arith.constant 0 : i32
    %scan3A_27 = arith.constant 32 : i32
    %scan3A_28 = arith.addi %scan3A_26, %scan3A_27 : i32
    %scan3A_29 = arith.constant 1 : i32
    scf.for %scan3A_49 = %scan3A_26 to %scan3A_28 step %scan3A_29  : i32 {
      %mul3A_50 = arith.constant 16 : i32
      %mul3A_51 = arith.muli %scan3A_49, %mul3A_50 : i32
      %get3A = arith.index_cast %mul3A_51 : i32 to index
      %get3A_52 = tpu.vector_load %arg14[%get3A] {strides = array<i32>} : memref<512xi32, #tpu.memory_space<vmem>>, vector<16xi32>,
      %get3A_53 = vector.shape_cast %get3A_52 : vector<16xi32> to vector<16xi32>
      %slice3A = vector.extract_strided_slice %get3A_53 {offsets = [0], sizes = [1], strides = [1]} : vector<16xi32> to vector<1xi32>
      %squeeze3A = vector.extract %slice3A[0] : i32 from vector<1xi32>
      %mul3A_54 = arith.constant 16 : i32
      %mul3A_55 = arith.muli %scan3A_49, %mul3A_54 : i32
      %add3A_56 = arith.constant 0 : i32
      %add3A_57 = arith.addi %mul3A_55, %add3A_56 : i32
      %dma_start3A = arith.constant 0 : i32
      %dma_start3A_58 = tpu.memref_slice %arg15[%add3A_57, %dma_start3A] : memref<512x32xf32, #tpu.memory_space<vmem>> -> memref<1x32xf32, #tpu.memory_space<vmem>>
      %dma_start3A_59 = arith.constant 0 : i32
      %dma_start3A_60 = tpu.memref_slice %arg4[%squeeze3A, %dma_start3A_59] : memref<1000001x32xf32, #tpu.memory_space<hbm>> -> memref<1x32xf32, #tpu.memory_space<hbm>>
      %dma_start3A_61 = arith.constant 0 : i32
      %dma_start3A_62 = tpu.memref_slice %arg15[%add3A_57, %dma_start3A_61] : memref<512x32xf32, #tpu.memory_space<vmem>> -> memref<1x32xf32, #tpu.memory_space<vmem>>
      %dma_start3A_63 = arith.constant 0 : i32
      %dma_start3A_64 = tpu.memref_slice %arg4[%squeeze3A, %dma_start3A_63] : memref<1000001x32xf32, #tpu.memory_space<hbm>> -> memref<1x32xf32, #tpu.memory_space<hbm>>
      tpu.enqueue_dma source(%dma_start3A_64 : memref<1x32xf32, #tpu.memory_space<hbm>>) target(%dma_start3A_62 : memref<1x32xf32, #tpu.memory_space<vmem>>) target_semaphore(%arg16 : memref<!tpu.dma_semaphore, #tpu.memory_space<semaphore_mem>>)
      %slice3A_65 = vector.extract_strided_slice %get3A_53 {offsets = [1], sizes = [1], strides = [1]} : vector<16xi32> to vector<1xi32>
      %squeeze3A_66 = vector.extract %slice3A_65[0] : i32 from vector<1xi32>
      %mul3A_67 = arith.constant 16 : i32
      %mul3A_68 = arith.muli %scan3A_49, %mul3A_67 : i32
      %add3A_69 = arith.constant 1 : i32
      %add3A_70 = arith.addi %mul3A_68, %add3A_69 : i32
      %dma_start3A_71 = arith.constant 0 : i32
      %dma_start3A_72 = tpu.memref_slice %arg15[%add3A_70, %dma_start3A_71] : memref<512x32xf32, #tpu.memory_space<vmem>> -> memref<1x32xf32, #tpu.memory_space<vmem>>
      %dma_start3A_73 = arith.constant 0 : i32
      %dma_start3A_74 = tpu.memref_slice %arg4[%squeeze3A_66, %dma_start3A_73] : memref<1000001x32xf32, #tpu.memory_space<hbm>> -> memref<1x32xf32, #tpu.memory_space<hbm>>
      %dma_start3A_75 = arith.constant 0 : i32
      %dma_start3A_76 = tpu.memref_slice %arg15[%add3A_70, %dma_start3A_75] : memref<512x32xf32, #tpu.memory_space<vmem>> -> memref<1x32xf32, #tpu.memory_space<vmem>>
      %dma_start3A_77 = arith.constant 0 : i32
      %dma_start3A_78 = tpu.memref_slice %arg4[%squeeze3A_66, %dma_start3A_77] : memref<1000001x32xf32, #tpu.memory_space<hbm>> -> memref<1x32xf32, #tpu.memory_space<hbm>>
      tpu.enqueue_dma source(%dma_start3A_78 : memref<1x32xf32, #tpu.memory_space<hbm>>) target(%dma_start3A_76 : memref<1x32xf32, #tpu.memory_space<vmem>>) target_semaphore(%arg16 : memref<!tpu.dma_semaphore, #tpu.memory_space<semaphore_mem>>)
      %slice3A_79 = vector.extract_strided_slice %get3A_53 {offsets = [2], sizes = [1], strides = [1]} : vector<16xi32> to vector<1xi32>
      %squeeze3A_80 = vector.extract %slice3A_79[0] : i32 from vector<1xi32>
      %mul3A_81 = arith.constant 16 : i32
      %mul3A_82 = arith.muli %scan3A_49, %mul3A_81 : i32
      %add3A_83 = arith.constant 2 : i32
      %add3A_84 = arith.addi %mul3A_82, %add3A_83 : i32
      %dma_start3A_85 = arith.constant 0 : i32
      %dma_start3A_86 = tpu.memref_slice %arg15[%add3A_84, %dma_start3A_85] : memref<512x32xf32, #tpu.memory_space<vmem>> -> memref<1x32xf32, #tpu.memory_space<vmem>>
      %dma_start3A_87 = arith.constant 0 : i32
      %dma_start3A_88 = tpu.memref_slice %arg4[%squeeze3A_80, %dma_start3A_87] : memref<1000001x32xf32, #tpu.memory_space<hbm>> -> memref<1x32xf32, #tpu.memory_space<hbm>>
      %dma_start3A_89 = arith.constant 0 : i32
      %dma_start3A_90 = tpu.memref_slice %arg15[%add3A_84, %dma_start3A_89] : memref<512x32xf32, #tpu.memory_space<vmem>> -> memref<1x32xf32, #tpu.memory_space<vmem>>
      %dma_start3A_91 = arith.constant 0 : i32
      %dma_start3A_92 = tpu.memref_slice %arg4[%squeeze3A_80, %dma_start3A_91] : memref<1000001x32xf32, #tpu.memory_space<hbm>> -> memref<1x32xf32, #tpu.memory_space<hbm>>
      tpu.enqueue_dma source(%dma_start3A_92 : memref<1x32xf32, #tpu.memory_space<hbm>>) target(%dma_start3A_90 : memref<1x32xf32, #tpu.memory_space<vmem>>) target_semaphore(%arg16 : memref<!tpu.dma_semaphore, #tpu.memory_space<semaphore_mem>>)
      %slice3A_93 = vector.extract_strided_slice %get3A_53 {offsets = [3], sizes = [1], strides = [1]} : vector<16xi32> to vector<1xi32>
      %squeeze3A_94 = vector.extract %slice3A_93[0] : i32 from vector<1xi32>
      %mul3A_95 = arith.constant 16 : i32
      %mul3A_96 = arith.muli %scan3A_49, %mul3A_95 : i32
      %add3A_97 = arith.constant 3 : i32
      %add3A_98 = arith.addi %mul3A_96, %add3A_97 : i32
      %dma_start3A_99 = arith.constant 0 : i32
      %dma_start3A_100 = tpu.memref_slice %arg15[%add3A_98, %dma_start3A_99] : memref<512x32xf32, #tpu.memory_space<vmem>> -> memref<1x32xf32, #tpu.memory_space<vmem>>
      %dma_start3A_101 = arith.constant 0 : i32
      %dma_start3A_102 = tpu.memref_slice %arg4[%squeeze3A_94, %dma_start3A_101] : memref<1000001x32xf32, #tpu.memory_space<hbm>> -> memref<1x32xf32, #tpu.memory_space<hbm>>
      %dma_start3A_103 = arith.constant 0 : i32
      %dma_start3A_104 = tpu.memref_slice %arg15[%add3A_98, %dma_start3A_103] : memref<512x32xf32, #tpu.memory_space<vmem>> -> memref<1x32xf32, #tpu.memory_space<vmem>>
      %dma_start3A_105 = arith.constant 0 : i32
      %dma_start3A_106 = tpu.memref_slice %arg4[%squeeze3A_94, %dma_start3A_105] : memref<1000001x32xf32, #tpu.memory_space<hbm>> -> memref<1x32xf32, #tpu.memory_space<hbm>>
      tpu.enqueue_dma source(%dma_start3A_106 : memref<1x32xf32, #tpu.memory_space<hbm>>) target(%dma_start3A_104 : memref<1x32xf32, #tpu.memory_space<vmem>>) target_semaphore(%arg16 : memref<!tpu.dma_semaphore, #tpu.memory_space<semaphore_mem>>)
      %slice3A_107 = vector.extract_strided_slice %get3A_53 {offsets = [4], sizes = [1], strides = [1]} : vector<16xi32> to vector<1xi32>
      %squeeze3A_108 = vector.extract %slice3A_107[0] : i32 from vector<1xi32>
      %mul3A_109 = arith.constant 16 : i32
      %mul3A_110 = arith.muli %scan3A_49, %mul3A_109 : i32
      %add3A_111 = arith.constant 4 : i32
      %add3A_112 = arith.addi %mul3A_110, %add3A_111 : i32
      %dma_start3A_113 = arith.constant 0 : i32
      %dma_start3A_114 = tpu.memref_slice %arg15[%add3A_112, %dma_start3A_113] : memref<512x32xf32, #tpu.memory_space<vmem>> -> memref<1x32xf32, #tpu.memory_space<vmem>>
      %dma_start3A_115 = arith.constant 0 : i32
      %dma_start3A_116 = tpu.memref_slice %arg4[%squeeze3A_108, %dma_start3A_115] : memref<1000001x32xf32, #tpu.memory_space<hbm>> -> memref<1x32xf32, #tpu.memory_space<hbm>>
      %dma_start3A_117 = arith.constant 0 : i32
      %dma_start3A_118 = tpu.memref_slice %arg15[%add3A_112, %dma_start3A_117] : memref<512x32xf32, #tpu.memory_space<vmem>> -> memref<1x32xf32, #tpu.memory_space<vmem>>
      %dma_start3A_119 = arith.constant 0 : i32
      %dma_start3A_120 = tpu.memref_slice %arg4[%squeeze3A_108, %dma_start3A_119] : memref<1000001x32xf32, #tpu.memory_space<hbm>> -> memref<1x32xf32, #tpu.memory_space<hbm>>
      tpu.enqueue_dma source(%dma_start3A_120 : memref<1x32xf32, #tpu.memory_space<hbm>>) target(%dma_start3A_118 : memref<1x32xf32, #tpu.memory_space<vmem>>) target_semaphore(%arg16 : memref<!tpu.dma_semaphore, #tpu.memory_space<semaphore_mem>>)
      %slice3A_121 = vector.extract_strided_slice %get3A_53 {offsets = [5], sizes = [1], strides = [1]} : vector<16xi32> to vector<1xi32>
      %squeeze3A_122 = vector.extract %slice3A_121[0] : i32 from vector<1xi32>
      %mul3A_123 = arith.constant 16 : i32
      %mul3A_124 = arith.muli %scan3A_49, %mul3A_123 : i32
      %add3A_125 = arith.constant 5 : i32
      %add3A_126 = arith.addi %mul3A_124, %add3A_125 : i32
      %dma_start3A_127 = arith.constant 0 : i32
      %dma_start3A_128 = tpu.memref_slice %arg15[%add3A_126, %dma_start3A_127] : memref<512x32xf32, #tpu.memory_space<vmem>> -> memref<1x32xf32, #tpu.memory_space<vmem>>
      %dma_start3A_129 = arith.constant 0 : i32
      %dma_start3A_130 = tpu.memref_slice %arg4[%squeeze3A_122, %dma_start3A_129] : memref<1000001x32xf32, #tpu.memory_space<hbm>> -> memref<1x32xf32, #tpu.memory_space<hbm>>
      %dma_start3A_131 = arith.constant 0 : i32
      %dma_start3A_132 = tpu.memref_slice %arg15[%add3A_126, %dma_start3A_131] : memref<512x32xf32, #tpu.memory_space<vmem>> -> memref<1x32xf32, #tpu.memory_space<vmem>>
      %dma_start3A_133 = arith.constant 0 : i32
      %dma_start3A_134 = tpu.memref_slice %arg4[%squeeze3A_122, %dma_start3A_133] : memref<1000001x32xf32, #tpu.memory_space<hbm>> -> memref<1x32xf32, #tpu.memory_space<hbm>>
      tpu.enqueue_dma source(%dma_start3A_134 : memref<1x32xf32, #tpu.memory_space<hbm>>) target(%dma_start3A_132 : memref<1x32xf32, #tpu.memory_space<vmem>>) target_semaphore(%arg16 : memref<!tpu.dma_semaphore, #tpu.memory_space<semaphore_mem>>)
      %slice3A_135 = vector.extract_strided_slice %get3A_53 {offsets = [6], sizes = [1], strides = [1]} : vector<16xi32> to vector<1xi32>
      %squeeze3A_136 = vector.extract %slice3A_135[0] : i32 from vector<1xi32>
      %mul3A_137 = arith.constant 16 : i32
      %mul3A_138 = arith.muli %scan3A_49, %mul3A_137 : i32
      %add3A_139 = arith.constant 6 : i32
      %add3A_140 = arith.addi %mul3A_138, %add3A_139 : i32
      %dma_start3A_141 = arith.constant 0 : i32
      %dma_start3A_142 = tpu.memref_slice %arg15[%add3A_140, %dma_start3A_141] : memref<512x32xf32, #tpu.memory_space<vmem>> -> memref<1x32xf32, #tpu.memory_space<vmem>>
      %dma_start3A_143 = arith.constant 0 : i32
      %dma_start3A_144 = tpu.memref_slice %arg4[%squeeze3A_136, %dma_start3A_143] : memref<1000001x32xf32, #tpu.memory_space<hbm>> -> memref<1x32xf32, #tpu.memory_space<hbm>>
      %dma_start3A_145 = arith.constant 0 : i32
      %dma_start3A_146 = tpu.memref_slice %arg15[%add3A_140, %dma_start3A_145] : memref<512x32xf32, #tpu.memory_space<vmem>> -> memref<1x32xf32, #tpu.memory_space<vmem>>
      %dma_start3A_147 = arith.constant 0 : i32
      %dma_start3A_148 = tpu.memref_slice %arg4[%squeeze3A_136, %dma_start3A_147] : memref<1000001x32xf32, #tpu.memory_space<hbm>> -> memref<1x32xf32, #tpu.memory_space<hbm>>
      tpu.enqueue_dma source(%dma_start3A_148 : memref<1x32xf32, #tpu.memory_space<hbm>>) target(%dma_start3A_146 : memref<1x32xf32, #tpu.memory_space<vmem>>) target_semaphore(%arg16 : memref<!tpu.dma_semaphore, #tpu.memory_space<semaphore_mem>>)
      %slice3A_149 = vector.extract_strided_slice %get3A_53 {offsets = [7], sizes = [1], strides = [1]} : vector<16xi32> to vector<1xi32>
      %squeeze3A_150 = vector.extract %slice3A_149[0] : i32 from vector<1xi32>
      %mul3A_151 = arith.constant 16 : i32
      %mul3A_152 = arith.muli %scan3A_49, %mul3A_151 : i32
      %add3A_153 = arith.constant 7 : i32
      %add3A_154 = arith.addi %mul3A_152, %add3A_153 : i32
      %dma_start3A_155 = arith.constant 0 : i32
      %dma_start3A_156 = tpu.memref_slice %arg15[%add3A_154, %dma_start3A_155] : memref<512x32xf32, #tpu.memory_space<vmem>> -> memref<1x32xf32, #tpu.memory_space<vmem>>
      %dma_start3A_157 = arith.constant 0 : i32
      %dma_start3A_158 = tpu.memref_slice %arg4[%squeeze3A_150, %dma_start3A_157] : memref<1000001x32xf32, #tpu.memory_space<hbm>> -> memref<1x32xf32, #tpu.memory_space<hbm>>
      %dma_start3A_159 = arith.constant 0 : i32
      %dma_start3A_160 = tpu.memref_slice %arg15[%add3A_154, %dma_start3A_159] : memref<512x32xf32, #tpu.memory_space<vmem>> -> memref<1x32xf32, #tpu.memory_space<vmem>>
      %dma_start3A_161 = arith.constant 0 : i32
      %dma_start3A_162 = tpu.memref_slice %arg4[%squeeze3A_150, %dma_start3A_161] : memref<1000001x32xf32, #tpu.memory_space<hbm>> -> memref<1x32xf32, #tpu.memory_space<hbm>>
      tpu.enqueue_dma source(%dma_start3A_162 : memref<1x32xf32, #tpu.memory_space<hbm>>) target(%dma_start3A_160 : memref<1x32xf32, #tpu.memory_space<vmem>>) target_semaphore(%arg16 : memref<!tpu.dma_semaphore, #tpu.memory_space<semaphore_mem>>)
      %slice3A_163 = vector.extract_strided_slice %get3A_53 {offsets = [8], sizes = [1], strides = [1]} : vector<16xi32> to vector<1xi32>
      %squeeze3A_164 = vector.extract %slice3A_163[0] : i32 from vector<1xi32>
      %mul3A_165 = arith.constant 16 : i32
      %mul3A_166 = arith.muli %scan3A_49, %mul3A_165 : i32
      %add3A_167 = arith.constant 8 : i32
      %add3A_168 = arith.addi %mul3A_166, %add3A_167 : i32
      %dma_start3A_169 = arith.constant 0 : i32
      %dma_start3A_170 = tpu.memref_slice %arg15[%add3A_168, %dma_start3A_169] : memref<512x32xf32, #tpu.memory_space<vmem>> -> memref<1x32xf32, #tpu.memory_space<vmem>>
      %dma_start3A_171 = arith.constant 0 : i32
      %dma_start3A_172 = tpu.memref_slice %arg4[%squeeze3A_164, %dma_start3A_171] : memref<1000001x32xf32, #tpu.memory_space<hbm>> -> memref<1x32xf32, #tpu.memory_space<hbm>>
      %dma_start3A_173 = arith.constant 0 : i32
      %dma_start3A_174 = tpu.memref_slice %arg15[%add3A_168, %dma_start3A_173] : memref<512x32xf32, #tpu.memory_space<vmem>> -> memref<1x32xf32, #tpu.memory_space<vmem>>
      %dma_start3A_175 = arith.constant 0 : i32
      %dma_start3A_176 = tpu.memref_slice %arg4[%squeeze3A_164, %dma_start3A_175] : memref<1000001x32xf32, #tpu.memory_space<hbm>> -> memref<1x32xf32, #tpu.memory_space<hbm>>
      tpu.enqueue_dma source(%dma_start3A_176 : memref<1x32xf32, #tpu.memory_space<hbm>>) target(%dma_start3A_174 : memref<1x32xf32, #tpu.memory_space<vmem>>) target_semaphore(%arg16 : memref<!tpu.dma_semaphore, #tpu.memory_space<semaphore_mem>>)
      %slice3A_177 = vector.extract_strided_slice %get3A_53 {offsets = [9], sizes = [1], strides = [1]} : vector<16xi32> to vector<1xi32>
      %squeeze3A_178 = vector.extract %slice3A_177[0] : i32 from vector<1xi32>
      %mul3A_179 = arith.constant 16 : i32
      %mul3A_180 = arith.muli %scan3A_49, %mul3A_179 : i32
      %add3A_181 = arith.constant 9 : i32
      %add3A_182 = arith.addi %mul3A_180, %add3A_181 : i32
      %dma_start3A_183 = arith.constant 0 : i32
      %dma_start3A_184 = tpu.memref_slice %arg15[%add3A_182, %dma_start3A_183] : memref<512x32xf32, #tpu.memory_space<vmem>> -> memref<1x32xf32, #tpu.memory_space<vmem>>
      %dma_start3A_185 = arith.constant 0 : i32
      %dma_start3A_186 = tpu.memref_slice %arg4[%squeeze3A_178, %dma_start3A_185] : memref<1000001x32xf32, #tpu.memory_space<hbm>> -> memref<1x32xf32, #tpu.memory_space<hbm>>
      %dma_start3A_187 = arith.constant 0 : i32
      %dma_start3A_188 = tpu.memref_slice %arg15[%add3A_182, %dma_start3A_187] : memref<512x32xf32, #tpu.memory_space<vmem>> -> memref<1x32xf32, #tpu.memory_space<vmem>>
      %dma_start3A_189 = arith.constant 0 : i32
      %dma_start3A_190 = tpu.memref_slice %arg4[%squeeze3A_178, %dma_start3A_189] : memref<1000001x32xf32, #tpu.memory_space<hbm>> -> memref<1x32xf32, #tpu.memory_space<hbm>>
      tpu.enqueue_dma source(%dma_start3A_190 : memref<1x32xf32, #tpu.memory_space<hbm>>) target(%dma_start3A_188 : memref<1x32xf32, #tpu.memory_space<vmem>>) target_semaphore(%arg16 : memref<!tpu.dma_semaphore, #tpu.memory_space<semaphore_mem>>)
      %slice3A_191 = vector.extract_strided_slice %get3A_53 {offsets = [10], sizes = [1], strides = [1]} : vector<16xi32> to vector<1xi32>
      %squeeze3A_192 = vector.extract %slice3A_191[0] : i32 from vector<1xi32>
      %mul3A_193 = arith.constant 16 : i32
      %mul3A_194 = arith.muli %scan3A_49, %mul3A_193 : i32
      %add3A_195 = arith.constant 10 : i32
      %add3A_196 = arith.addi %mul3A_194, %add3A_195 : i32
      %dma_start3A_197 = arith.constant 0 : i32
      %dma_start3A_198 = tpu.memref_slice %arg15[%add3A_196, %dma_start3A_197] : memref<512x32xf32, #tpu.memory_space<vmem>> -> memref<1x32xf32, #tpu.memory_space<vmem>>
      %dma_start3A_199 = arith.constant 0 : i32
      %dma_start3A_200 = tpu.memref_slice %arg4[%squeeze3A_192, %dma_start3A_199] : memref<1000001x32xf32, #tpu.memory_space<hbm>> -> memref<1x32xf32, #tpu.memory_space<hbm>>
      %dma_start3A_201 = arith.constant 0 : i32
      %dma_start3A_202 = tpu.memref_slice %arg15[%add3A_196, %dma_start3A_201] : memref<512x32xf32, #tpu.memory_space<vmem>> -> memref<1x32xf32, #tpu.memory_space<vmem>>
      %dma_start3A_203 = arith.constant 0 : i32
      %dma_start3A_204 = tpu.memref_slice %arg4[%squeeze3A_192, %dma_start3A_203] : memref<1000001x32xf32, #tpu.memory_space<hbm>> -> memref<1x32xf32, #tpu.memory_space<hbm>>
      tpu.enqueue_dma source(%dma_start3A_204 : memref<1x32xf32, #tpu.memory_space<hbm>>) target(%dma_start3A_202 : memref<1x32xf32, #tpu.memory_space<vmem>>) target_semaphore(%arg16 : memref<!tpu.dma_semaphore, #tpu.memory_space<semaphore_mem>>)
      %slice3A_205 = vector.extract_strided_slice %get3A_53 {offsets = [11], sizes = [1], strides = [1]} : vector<16xi32> to vector<1xi32>
      %squeeze3A_206 = vector.extract %slice3A_205[0] : i32 from vector<1xi32>
      %mul3A_207 = arith.constant 16 : i32
      %mul3A_208 = arith.muli %scan3A_49, %mul3A_207 : i32
      %add3A_209 = arith.constant 11 : i32
      %add3A_210 = arith.addi %mul3A_208, %add3A_209 : i32
      %dma_start3A_211 = arith.constant 0 : i32
      %dma_start3A_212 = tpu.memref_slice %arg15[%add3A_210, %dma_start3A_211] : memref<512x32xf32, #tpu.memory_space<vmem>> -> memref<1x32xf32, #tpu.memory_space<vmem>>
      %dma_start3A_213 = arith.constant 0 : i32
      %dma_start3A_214 = tpu.memref_slice %arg4[%squeeze3A_206, %dma_start3A_213] : memref<1000001x32xf32, #tpu.memory_space<hbm>> -> memref<1x32xf32, #tpu.memory_space<hbm>>
      %dma_start3A_215 = arith.constant 0 : i32
      %dma_start3A_216 = tpu.memref_slice %arg15[%add3A_210, %dma_start3A_215] : memref<512x32xf32, #tpu.memory_space<vmem>> -> memref<1x32xf32, #tpu.memory_space<vmem>>
      %dma_start3A_217 = arith.constant 0 : i32
      %dma_start3A_218 = tpu.memref_slice %arg4[%squeeze3A_206, %dma_start3A_217] : memref<1000001x32xf32, #tpu.memory_space<hbm>> -> memref<1x32xf32, #tpu.memory_space<hbm>>
      tpu.enqueue_dma source(%dma_start3A_218 : memref<1x32xf32, #tpu.memory_space<hbm>>) target(%dma_start3A_216 : memref<1x32xf32, #tpu.memory_space<vmem>>) target_semaphore(%arg16 : memref<!tpu.dma_semaphore, #tpu.memory_space<semaphore_mem>>)
      %slice3A_219 = vector.extract_strided_slice %get3A_53 {offsets = [12], sizes = [1], strides = [1]} : vector<16xi32> to vector<1xi32>
      %squeeze3A_220 = vector.extract %slice3A_219[0] : i32 from vector<1xi32>
      %mul3A_221 = arith.constant 16 : i32
      %mul3A_222 = arith.muli %scan3A_49, %mul3A_221 : i32
      %add3A_223 = arith.constant 12 : i32
      %add3A_224 = arith.addi %mul3A_222, %add3A_223 : i32
      %dma_start3A_225 = arith.constant 0 : i32
      %dma_start3A_226 = tpu.memref_slice %arg15[%add3A_224, %dma_start3A_225] : memref<512x32xf32, #tpu.memory_space<vmem>> -> memref<1x32xf32, #tpu.memory_space<vmem>>
      %dma_start3A_227 = arith.constant 0 : i32
      %dma_start3A_228 = tpu.memref_slice %arg4[%squeeze3A_220, %dma_start3A_227] : memref<1000001x32xf32, #tpu.memory_space<hbm>> -> memref<1x32xf32, #tpu.memory_space<hbm>>
      %dma_start3A_229 = arith.constant 0 : i32
      %dma_start3A_230 = tpu.memref_slice %arg15[%add3A_224, %dma_start3A_229] : memref<512x32xf32, #tpu.memory_space<vmem>> -> memref<1x32xf32, #tpu.memory_space<vmem>>
      %dma_start3A_231 = arith.constant 0 : i32
      %dma_start3A_232 = tpu.memref_slice %arg4[%squeeze3A_220, %dma_start3A_231] : memref<1000001x32xf32, #tpu.memory_space<hbm>> -> memref<1x32xf32, #tpu.memory_space<hbm>>
      tpu.enqueue_dma source(%dma_start3A_232 : memref<1x32xf32, #tpu.memory_space<hbm>>) target(%dma_start3A_230 : memref<1x32xf32, #tpu.memory_space<vmem>>) target_semaphore(%arg16 : memref<!tpu.dma_semaphore, #tpu.memory_space<semaphore_mem>>)
      %slice3A_233 = vector.extract_strided_slice %get3A_53 {offsets = [13], sizes = [1], strides = [1]} : vector<16xi32> to vector<1xi32>
      %squeeze3A_234 = vector.extract %slice3A_233[0] : i32 from vector<1xi32>
      %mul3A_235 = arith.constant 16 : i32
      %mul3A_236 = arith.muli %scan3A_49, %mul3A_235 : i32
      %add3A_237 = arith.constant 13 : i32
      %add3A_238 = arith.addi %mul3A_236, %add3A_237 : i32
      %dma_start3A_239 = arith.constant 0 : i32
      %dma_start3A_240 = tpu.memref_slice %arg15[%add3A_238, %dma_start3A_239] : memref<512x32xf32, #tpu.memory_space<vmem>> -> memref<1x32xf32, #tpu.memory_space<vmem>>
      %dma_start3A_241 = arith.constant 0 : i32
      %dma_start3A_242 = tpu.memref_slice %arg4[%squeeze3A_234, %dma_start3A_241] : memref<1000001x32xf32, #tpu.memory_space<hbm>> -> memref<1x32xf32, #tpu.memory_space<hbm>>
      %dma_start3A_243 = arith.constant 0 : i32
      %dma_start3A_244 = tpu.memref_slice %arg15[%add3A_238, %dma_start3A_243] : memref<512x32xf32, #tpu.memory_space<vmem>> -> memref<1x32xf32, #tpu.memory_space<vmem>>
      %dma_start3A_245 = arith.constant 0 : i32
      %dma_start3A_246 = tpu.memref_slice %arg4[%squeeze3A_234, %dma_start3A_245] : memref<1000001x32xf32, #tpu.memory_space<hbm>> -> memref<1x32xf32, #tpu.memory_space<hbm>>
      tpu.enqueue_dma source(%dma_start3A_246 : memref<1x32xf32, #tpu.memory_space<hbm>>) target(%dma_start3A_244 : memref<1x32xf32, #tpu.memory_space<vmem>>) target_semaphore(%arg16 : memref<!tpu.dma_semaphore, #tpu.memory_space<semaphore_mem>>)
      %slice3A_247 = vector.extract_strided_slice %get3A_53 {offsets = [14], sizes = [1], strides = [1]} : vector<16xi32> to vector<1xi32>
      %squeeze3A_248 = vector.extract %slice3A_247[0] : i32 from vector<1xi32>
      %mul3A_249 = arith.constant 16 : i32
      %mul3A_250 = arith.muli %scan3A_49, %mul3A_249 : i32
      %add3A_251 = arith.constant 14 : i32
      %add3A_252 = arith.addi %mul3A_250, %add3A_251 : i32
      %dma_start3A_253 = arith.constant 0 : i32
      %dma_start3A_254 = tpu.memref_slice %arg15[%add3A_252, %dma_start3A_253] : memref<512x32xf32, #tpu.memory_space<vmem>> -> memref<1x32xf32, #tpu.memory_space<vmem>>
      %dma_start3A_255 = arith.constant 0 : i32
      %dma_start3A_256 = tpu.memref_slice %arg4[%squeeze3A_248, %dma_start3A_255] : memref<1000001x32xf32, #tpu.memory_space<hbm>> -> memref<1x32xf32, #tpu.memory_space<hbm>>
      %dma_start3A_257 = arith.constant 0 : i32
      %dma_start3A_258 = tpu.memref_slice %arg15[%add3A_252, %dma_start3A_257] : memref<512x32xf32, #tpu.memory_space<vmem>> -> memref<1x32xf32, #tpu.memory_space<vmem>>
      %dma_start3A_259 = arith.constant 0 : i32
      %dma_start3A_260 = tpu.memref_slice %arg4[%squeeze3A_248, %dma_start3A_259] : memref<1000001x32xf32, #tpu.memory_space<hbm>> -> memref<1x32xf32, #tpu.memory_space<hbm>>
      tpu.enqueue_dma source(%dma_start3A_260 : memref<1x32xf32, #tpu.memory_space<hbm>>) target(%dma_start3A_258 : memref<1x32xf32, #tpu.memory_space<vmem>>) target_semaphore(%arg16 : memref<!tpu.dma_semaphore, #tpu.memory_space<semaphore_mem>>)
      %slice3A_261 = vector.extract_strided_slice %get3A_53 {offsets = [15], sizes = [1], strides = [1]} : vector<16xi32> to vector<1xi32>
      %squeeze3A_262 = vector.extract %slice3A_261[0] : i32 from vector<1xi32>
      %mul3A_263 = arith.constant 16 : i32
      %mul3A_264 = arith.muli %scan3A_49, %mul3A_263 : i32
      %add3A_265 = arith.constant 15 : i32
      %add3A_266 = arith.addi %mul3A_264, %add3A_265 : i32
      %dma_start3A_267 = arith.constant 0 : i32
      %dma_start3A_268 = tpu.memref_slice %arg15[%add3A_266, %dma_start3A_267] : memref<512x32xf32, #tpu.memory_space<vmem>> -> memref<1x32xf32, #tpu.memory_space<vmem>>
      %dma_start3A_269 = arith.constant 0 : i32
      %dma_start3A_270 = tpu.memref_slice %arg4[%squeeze3A_262, %dma_start3A_269] : memref<1000001x32xf32, #tpu.memory_space<hbm>> -> memref<1x32xf32, #tpu.memory_space<hbm>>
      %dma_start3A_271 = arith.constant 0 : i32
      %dma_start3A_272 = tpu.memref_slice %arg15[%add3A_266, %dma_start3A_271] : memref<512x32xf32, #tpu.memory_space<vmem>> -> memref<1x32xf32, #tpu.memory_space<vmem>>
      %dma_start3A_273 = arith.constant 0 : i32
      %dma_start3A_274 = tpu.memref_slice %arg4[%squeeze3A_262, %dma_start3A_273] : memref<1000001x32xf32, #tpu.memory_space<hbm>> -> memref<1x32xf32, #tpu.memory_space<hbm>>
      tpu.enqueue_dma source(%dma_start3A_274 : memref<1x32xf32, #tpu.memory_space<hbm>>) target(%dma_start3A_272 : memref<1x32xf32, #tpu.memory_space<vmem>>) target_semaphore(%arg16 : memref<!tpu.dma_semaphore, #tpu.memory_space<semaphore_mem>>)
    }
    %scan3A_30 = arith.constant 32 : i32
    %dma_wait3A_31 = arith.constant 0 : i32
    %dma_wait3A_32 = arith.constant 0 : i32
    %dma_wait3A_33 = tpu.memref_slice %arg4[%dma_wait3A_31, %dma_wait3A_32] : memref<1000001x32xf32, #tpu.memory_space<hbm>> -> memref<512x32xf32, #tpu.memory_space<hbm>>
    %dma_wait3A_34 = arith.constant 0 : i32
    %dma_wait3A_35 = arith.constant 0 : i32
    %dma_wait3A_36 = tpu.memref_slice %arg4[%dma_wait3A_34, %dma_wait3A_35] : memref<1000001x32xf32, #tpu.memory_space<hbm>> -> memref<512x32xf32, #tpu.memory_space<hbm>>
    tpu.wait_dma2 semaphore(%arg16 : memref<!tpu.dma_semaphore, #tpu.memory_space<semaphore_mem>>) src(%dma_wait3A_36 : memref<512x32xf32, #tpu.memory_space<hbm>>) dst(%arg15 : memref<512x32xf32, #tpu.memory_space<vmem>>)
    "tpu.region"() ({
      %run_scoped3A = tpu.sem_alloc : memref<!tpu.dma_semaphore, #tpu.memory_space<semaphore_mem>>
      %dma_start3A = arith.constant 0 : i32
      %dma_start3A_49 = tpu.memref_slice %arg12[%mul3A_2, %dma_start3A] : memref<16384x32xf32, #tpu.memory_space<hbm>> -> memref<512x32xf32, #tpu.memory_space<hbm>>
      %dma_start3A_50 = arith.constant 0 : i32
      %dma_start3A_51 = tpu.memref_slice %arg12[%mul3A_2, %dma_start3A_50] : memref<16384x32xf32, #tpu.memory_space<hbm>> -> memref<512x32xf32, #tpu.memory_space<hbm>>
      tpu.enqueue_dma source(%arg15 : memref<512x32xf32, #tpu.memory_space<vmem>>) target(%dma_start3A_51 : memref<512x32xf32, #tpu.memory_space<hbm>>) target_semaphore(%run_scoped3A : memref<!tpu.dma_semaphore, #tpu.memory_space<semaphore_mem>>)
      %dma_wait3A_52 = arith.constant 0 : i32
      %dma_wait3A_53 = tpu.memref_slice %arg12[%mul3A_2, %dma_wait3A_52] : memref<16384x32xf32, #tpu.memory_space<hbm>> -> memref<512x32xf32, #tpu.memory_space<hbm>>
      %dma_wait3A_54 = arith.constant 0 : i32
      %dma_wait3A_55 = tpu.memref_slice %arg12[%mul3A_2, %dma_wait3A_54] : memref<16384x32xf32, #tpu.memory_space<hbm>> -> memref<512x32xf32, #tpu.memory_space<hbm>>
      tpu.wait_dma2 semaphore(%run_scoped3A : memref<!tpu.dma_semaphore, #tpu.memory_space<semaphore_mem>>) src(%arg15 : memref<512x32xf32, #tpu.memory_space<vmem>>) dst(%dma_wait3A_55 : memref<512x32xf32, #tpu.memory_space<hbm>>)
      tpu.yield
    }) : () -> ()
    "tpu.region"() ({
      %run_scoped3A = tpu.sem_alloc : memref<!tpu.dma_semaphore, #tpu.memory_space<semaphore_mem>>
      %dma_start3A = tpu.memref_slice %arg9[%mul3A_2] : memref<16384xi32, #tpu.memory_space<hbm>> -> memref<512xi32, #tpu.memory_space<hbm>>
      %dma_start3A_49 = tpu.memref_slice %arg9[%mul3A_2] : memref<16384xi32, #tpu.memory_space<hbm>> -> memref<512xi32, #tpu.memory_space<hbm>>
      tpu.enqueue_dma source(%dma_start3A_49 : memref<512xi32, #tpu.memory_space<hbm>>) target(%arg14 : memref<512xi32, #tpu.memory_space<vmem>>) target_semaphore(%run_scoped3A : memref<!tpu.dma_semaphore, #tpu.memory_space<semaphore_mem>>)
      %dma_wait3A_50 = tpu.memref_slice %arg9[%mul3A_2] : memref<16384xi32, #tpu.memory_space<hbm>> -> memref<512xi32, #tpu.memory_space<hbm>>
      %dma_wait3A_51 = tpu.memref_slice %arg9[%mul3A_2] : memref<16384xi32, #tpu.memory_space<hbm>> -> memref<512xi32, #tpu.memory_space<hbm>>
      tpu.wait_dma2 semaphore(%run_scoped3A : memref<!tpu.dma_semaphore, #tpu.memory_space<semaphore_mem>>) src(%dma_wait3A_51 : memref<512xi32, #tpu.memory_space<hbm>>) dst(%arg14 : memref<512xi32, #tpu.memory_space<vmem>>)
      tpu.yield
    }) : () -> ()
    %scan3A_37 = arith.constant 0 : i32
    %scan3A_38 = arith.constant 0 : i32
    %scan3A_39 = arith.constant 32 : i32
    %scan3A_40 = arith.addi %scan3A_38, %scan3A_39 : i32
    %scan3A_41 = arith.constant 1 : i32
    scf.for %scan3A_49 = %scan3A_38 to %scan3A_40 step %scan3A_41  : i32 {
      %mul3A_50 = arith.constant 16 : i32
      %mul3A_51 = arith.muli %scan3A_49, %mul3A_50 : i32
      %get3A = arith.index_cast %mul3A_51 : i32 to index
      %get3A_52 = tpu.vector_load %arg14[%get3A] {strides = array<i32>} : memref<512xi32, #tpu.memory_space<vmem>>, vector<16xi32>,
      %get3A_53 = vector.shape_cast %get3A_52 : vector<16xi32> to vector<16xi32>
      %slice3A = vector.extract_strided_slice %get3A_53 {offsets = [0], sizes = [1], strides = [1]} : vector<16xi32> to vector<1xi32>
      %squeeze3A = vector.extract %slice3A[0] : i32 from vector<1xi32>
      %mul3A_54 = arith.constant 16 : i32
      %mul3A_55 = arith.muli %scan3A_49, %mul3A_54 : i32
      %add3A_56 = arith.constant 0 : i32
      %add3A_57 = arith.addi %mul3A_55, %add3A_56 : i32
      %dma_start3A = arith.constant 0 : i32
      %dma_start3A_58 = tpu.memref_slice %arg15[%add3A_57, %dma_start3A] : memref<512x32xf32, #tpu.memory_space<vmem>> -> memref<1x32xf32, #tpu.memory_space<vmem>>
      %dma_start3A_59 = arith.constant 0 : i32
      %dma_start3A_60 = tpu.memref_slice %arg5[%squeeze3A, %dma_start3A_59] : memref<1000001x32xf32, #tpu.memory_space<hbm>> -> memref<1x32xf32, #tpu.memory_space<hbm>>
      %dma_start3A_61 = arith.constant 0 : i32
      %dma_start3A_62 = tpu.memref_slice %arg15[%add3A_57, %dma_start3A_61] : memref<512x32xf32, #tpu.memory_space<vmem>> -> memref<1x32xf32, #tpu.memory_space<vmem>>
      %dma_start3A_63 = arith.constant 0 : i32
      %dma_start3A_64 = tpu.memref_slice %arg5[%squeeze3A, %dma_start3A_63] : memref<1000001x32xf32, #tpu.memory_space<hbm>> -> memref<1x32xf32, #tpu.memory_space<hbm>>
      tpu.enqueue_dma source(%dma_start3A_64 : memref<1x32xf32, #tpu.memory_space<hbm>>) target(%dma_start3A_62 : memref<1x32xf32, #tpu.memory_space<vmem>>) target_semaphore(%arg16 : memref<!tpu.dma_semaphore, #tpu.memory_space<semaphore_mem>>)
      %slice3A_65 = vector.extract_strided_slice %get3A_53 {offsets = [1], sizes = [1], strides = [1]} : vector<16xi32> to vector<1xi32>
      %squeeze3A_66 = vector.extract %slice3A_65[0] : i32 from vector<1xi32>
      %mul3A_67 = arith.constant 16 : i32
      %mul3A_68 = arith.muli %scan3A_49, %mul3A_67 : i32
      %add3A_69 = arith.constant 1 : i32
      %add3A_70 = arith.addi %mul3A_68, %add3A_69 : i32
      %dma_start3A_71 = arith.constant 0 : i32
      %dma_start3A_72 = tpu.memref_slice %arg15[%add3A_70, %dma_start3A_71] : memref<512x32xf32, #tpu.memory_space<vmem>> -> memref<1x32xf32, #tpu.memory_space<vmem>>
      %dma_start3A_73 = arith.constant 0 : i32
      %dma_start3A_74 = tpu.memref_slice %arg5[%squeeze3A_66, %dma_start3A_73] : memref<1000001x32xf32, #tpu.memory_space<hbm>> -> memref<1x32xf32, #tpu.memory_space<hbm>>
      %dma_start3A_75 = arith.constant 0 : i32
      %dma_start3A_76 = tpu.memref_slice %arg15[%add3A_70, %dma_start3A_75] : memref<512x32xf32, #tpu.memory_space<vmem>> -> memref<1x32xf32, #tpu.memory_space<vmem>>
      %dma_start3A_77 = arith.constant 0 : i32
      %dma_start3A_78 = tpu.memref_slice %arg5[%squeeze3A_66, %dma_start3A_77] : memref<1000001x32xf32, #tpu.memory_space<hbm>> -> memref<1x32xf32, #tpu.memory_space<hbm>>
      tpu.enqueue_dma source(%dma_start3A_78 : memref<1x32xf32, #tpu.memory_space<hbm>>) target(%dma_start3A_76 : memref<1x32xf32, #tpu.memory_space<vmem>>) target_semaphore(%arg16 : memref<!tpu.dma_semaphore, #tpu.memory_space<semaphore_mem>>)
      %slice3A_79 = vector.extract_strided_slice %get3A_53 {offsets = [2], sizes = [1], strides = [1]} : vector<16xi32> to vector<1xi32>
      %squeeze3A_80 = vector.extract %slice3A_79[0] : i32 from vector<1xi32>
      %mul3A_81 = arith.constant 16 : i32
      %mul3A_82 = arith.muli %scan3A_49, %mul3A_81 : i32
      %add3A_83 = arith.constant 2 : i32
      %add3A_84 = arith.addi %mul3A_82, %add3A_83 : i32
      %dma_start3A_85 = arith.constant 0 : i32
      %dma_start3A_86 = tpu.memref_slice %arg15[%add3A_84, %dma_start3A_85] : memref<512x32xf32, #tpu.memory_space<vmem>> -> memref<1x32xf32, #tpu.memory_space<vmem>>
      %dma_start3A_87 = arith.constant 0 : i32
      %dma_start3A_88 = tpu.memref_slice %arg5[%squeeze3A_80, %dma_start3A_87] : memref<1000001x32xf32, #tpu.memory_space<hbm>> -> memref<1x32xf32, #tpu.memory_space<hbm>>
      %dma_start3A_89 = arith.constant 0 : i32
      %dma_start3A_90 = tpu.memref_slice %arg15[%add3A_84, %dma_start3A_89] : memref<512x32xf32, #tpu.memory_space<vmem>> -> memref<1x32xf32, #tpu.memory_space<vmem>>
      %dma_start3A_91 = arith.constant 0 : i32
      %dma_start3A_92 = tpu.memref_slice %arg5[%squeeze3A_80, %dma_start3A_91] : memref<1000001x32xf32, #tpu.memory_space<hbm>> -> memref<1x32xf32, #tpu.memory_space<hbm>>
      tpu.enqueue_dma source(%dma_start3A_92 : memref<1x32xf32, #tpu.memory_space<hbm>>) target(%dma_start3A_90 : memref<1x32xf32, #tpu.memory_space<vmem>>) target_semaphore(%arg16 : memref<!tpu.dma_semaphore, #tpu.memory_space<semaphore_mem>>)
      %slice3A_93 = vector.extract_strided_slice %get3A_53 {offsets = [3], sizes = [1], strides = [1]} : vector<16xi32> to vector<1xi32>
      %squeeze3A_94 = vector.extract %slice3A_93[0] : i32 from vector<1xi32>
      %mul3A_95 = arith.constant 16 : i32
      %mul3A_96 = arith.muli %scan3A_49, %mul3A_95 : i32
      %add3A_97 = arith.constant 3 : i32
      %add3A_98 = arith.addi %mul3A_96, %add3A_97 : i32
      %dma_start3A_99 = arith.constant 0 : i32
      %dma_start3A_100 = tpu.memref_slice %arg15[%add3A_98, %dma_start3A_99] : memref<512x32xf32, #tpu.memory_space<vmem>> -> memref<1x32xf32, #tpu.memory_space<vmem>>
      %dma_start3A_101 = arith.constant 0 : i32
      %dma_start3A_102 = tpu.memref_slice %arg5[%squeeze3A_94, %dma_start3A_101] : memref<1000001x32xf32, #tpu.memory_space<hbm>> -> memref<1x32xf32, #tpu.memory_space<hbm>>
      %dma_start3A_103 = arith.constant 0 : i32
      %dma_start3A_104 = tpu.memref_slice %arg15[%add3A_98, %dma_start3A_103] : memref<512x32xf32, #tpu.memory_space<vmem>> -> memref<1x32xf32, #tpu.memory_space<vmem>>
      %dma_start3A_105 = arith.constant 0 : i32
      %dma_start3A_106 = tpu.memref_slice %arg5[%squeeze3A_94, %dma_start3A_105] : memref<1000001x32xf32, #tpu.memory_space<hbm>> -> memref<1x32xf32, #tpu.memory_space<hbm>>
      tpu.enqueue_dma source(%dma_start3A_106 : memref<1x32xf32, #tpu.memory_space<hbm>>) target(%dma_start3A_104 : memref<1x32xf32, #tpu.memory_space<vmem>>) target_semaphore(%arg16 : memref<!tpu.dma_semaphore, #tpu.memory_space<semaphore_mem>>)
      %slice3A_107 = vector.extract_strided_slice %get3A_53 {offsets = [4], sizes = [1], strides = [1]} : vector<16xi32> to vector<1xi32>
      %squeeze3A_108 = vector.extract %slice3A_107[0] : i32 from vector<1xi32>
      %mul3A_109 = arith.constant 16 : i32
      %mul3A_110 = arith.muli %scan3A_49, %mul3A_109 : i32
      %add3A_111 = arith.constant 4 : i32
      %add3A_112 = arith.addi %mul3A_110, %add3A_111 : i32
      %dma_start3A_113 = arith.constant 0 : i32
      %dma_start3A_114 = tpu.memref_slice %arg15[%add3A_112, %dma_start3A_113] : memref<512x32xf32, #tpu.memory_space<vmem>> -> memref<1x32xf32, #tpu.memory_space<vmem>>
      %dma_start3A_115 = arith.constant 0 : i32
      %dma_start3A_116 = tpu.memref_slice %arg5[%squeeze3A_108, %dma_start3A_115] : memref<1000001x32xf32, #tpu.memory_space<hbm>> -> memref<1x32xf32, #tpu.memory_space<hbm>>
      %dma_start3A_117 = arith.constant 0 : i32
      %dma_start3A_118 = tpu.memref_slice %arg15[%add3A_112, %dma_start3A_117] : memref<512x32xf32, #tpu.memory_space<vmem>> -> memref<1x32xf32, #tpu.memory_space<vmem>>
      %dma_start3A_119 = arith.constant 0 : i32
      %dma_start3A_120 = tpu.memref_slice %arg5[%squeeze3A_108, %dma_start3A_119] : memref<1000001x32xf32, #tpu.memory_space<hbm>> -> memref<1x32xf32, #tpu.memory_space<hbm>>
      tpu.enqueue_dma source(%dma_start3A_120 : memref<1x32xf32, #tpu.memory_space<hbm>>) target(%dma_start3A_118 : memref<1x32xf32, #tpu.memory_space<vmem>>) target_semaphore(%arg16 : memref<!tpu.dma_semaphore, #tpu.memory_space<semaphore_mem>>)
      %slice3A_121 = vector.extract_strided_slice %get3A_53 {offsets = [5], sizes = [1], strides = [1]} : vector<16xi32> to vector<1xi32>
      %squeeze3A_122 = vector.extract %slice3A_121[0] : i32 from vector<1xi32>
      %mul3A_123 = arith.constant 16 : i32
      %mul3A_124 = arith.muli %scan3A_49, %mul3A_123 : i32
      %add3A_125 = arith.constant 5 : i32
      %add3A_126 = arith.addi %mul3A_124, %add3A_125 : i32
      %dma_start3A_127 = arith.constant 0 : i32
      %dma_start3A_128 = tpu.memref_slice %arg15[%add3A_126, %dma_start3A_127] : memref<512x32xf32, #tpu.memory_space<vmem>> -> memref<1x32xf32, #tpu.memory_space<vmem>>
      %dma_start3A_129 = arith.constant 0 : i32
      %dma_start3A_130 = tpu.memref_slice %arg5[%squeeze3A_122, %dma_start3A_129] : memref<1000001x32xf32, #tpu.memory_space<hbm>> -> memref<1x32xf32, #tpu.memory_space<hbm>>
      %dma_start3A_131 = arith.constant 0 : i32
      %dma_start3A_132 = tpu.memref_slice %arg15[%add3A_126, %dma_start3A_131] : memref<512x32xf32, #tpu.memory_space<vmem>> -> memref<1x32xf32, #tpu.memory_space<vmem>>
      %dma_start3A_133 = arith.constant 0 : i32
      %dma_start3A_134 = tpu.memref_slice %arg5[%squeeze3A_122, %dma_start3A_133] : memref<1000001x32xf32, #tpu.memory_space<hbm>> -> memref<1x32xf32, #tpu.memory_space<hbm>>
      tpu.enqueue_dma source(%dma_start3A_134 : memref<1x32xf32, #tpu.memory_space<hbm>>) target(%dma_start3A_132 : memref<1x32xf32, #tpu.memory_space<vmem>>) target_semaphore(%arg16 : memref<!tpu.dma_semaphore, #tpu.memory_space<semaphore_mem>>)
      %slice3A_135 = vector.extract_strided_slice %get3A_53 {offsets = [6], sizes = [1], strides = [1]} : vector<16xi32> to vector<1xi32>
      %squeeze3A_136 = vector.extract %slice3A_135[0] : i32 from vector<1xi32>
      %mul3A_137 = arith.constant 16 : i32
      %mul3A_138 = arith.muli %scan3A_49, %mul3A_137 : i32
      %add3A_139 = arith.constant 6 : i32
      %add3A_140 = arith.addi %mul3A_138, %add3A_139 : i32
      %dma_start3A_141 = arith.constant 0 : i32
      %dma_start3A_142 = tpu.memref_slice %arg15[%add3A_140, %dma_start3A_141] : memref<512x32xf32, #tpu.memory_space<vmem>> -> memref<1x32xf32, #tpu.memory_space<vmem>>
      %dma_start3A_143 = arith.constant 0 : i32
      %dma_start3A_144 = tpu.memref_slice %arg5[%squeeze3A_136, %dma_start3A_143] : memref<1000001x32xf32, #tpu.memory_space<hbm>> -> memref<1x32xf32, #tpu.memory_space<hbm>>
      %dma_start3A_145 = arith.constant 0 : i32
      %dma_start3A_146 = tpu.memref_slice %arg15[%add3A_140, %dma_start3A_145] : memref<512x32xf32, #tpu.memory_space<vmem>> -> memref<1x32xf32, #tpu.memory_space<vmem>>
      %dma_start3A_147 = arith.constant 0 : i32
      %dma_start3A_148 = tpu.memref_slice %arg5[%squeeze3A_136, %dma_start3A_147] : memref<1000001x32xf32, #tpu.memory_space<hbm>> -> memref<1x32xf32, #tpu.memory_space<hbm>>
      tpu.enqueue_dma source(%dma_start3A_148 : memref<1x32xf32, #tpu.memory_space<hbm>>) target(%dma_start3A_146 : memref<1x32xf32, #tpu.memory_space<vmem>>) target_semaphore(%arg16 : memref<!tpu.dma_semaphore, #tpu.memory_space<semaphore_mem>>)
      %slice3A_149 = vector.extract_strided_slice %get3A_53 {offsets = [7], sizes = [1], strides = [1]} : vector<16xi32> to vector<1xi32>
      %squeeze3A_150 = vector.extract %slice3A_149[0] : i32 from vector<1xi32>
      %mul3A_151 = arith.constant 16 : i32
      %mul3A_152 = arith.muli %scan3A_49, %mul3A_151 : i32
      %add3A_153 = arith.constant 7 : i32
      %add3A_154 = arith.addi %mul3A_152, %add3A_153 : i32
      %dma_start3A_155 = arith.constant 0 : i32
      %dma_start3A_156 = tpu.memref_slice %arg15[%add3A_154, %dma_start3A_155] : memref<512x32xf32, #tpu.memory_space<vmem>> -> memref<1x32xf32, #tpu.memory_space<vmem>>
      %dma_start3A_157 = arith.constant 0 : i32
      %dma_start3A_158 = tpu.memref_slice %arg5[%squeeze3A_150, %dma_start3A_157] : memref<1000001x32xf32, #tpu.memory_space<hbm>> -> memref<1x32xf32, #tpu.memory_space<hbm>>
      %dma_start3A_159 = arith.constant 0 : i32
      %dma_start3A_160 = tpu.memref_slice %arg15[%add3A_154, %dma_start3A_159] : memref<512x32xf32, #tpu.memory_space<vmem>> -> memref<1x32xf32, #tpu.memory_space<vmem>>
      %dma_start3A_161 = arith.constant 0 : i32
      %dma_start3A_162 = tpu.memref_slice %arg5[%squeeze3A_150, %dma_start3A_161] : memref<1000001x32xf32, #tpu.memory_space<hbm>> -> memref<1x32xf32, #tpu.memory_space<hbm>>
      tpu.enqueue_dma source(%dma_start3A_162 : memref<1x32xf32, #tpu.memory_space<hbm>>) target(%dma_start3A_160 : memref<1x32xf32, #tpu.memory_space<vmem>>) target_semaphore(%arg16 : memref<!tpu.dma_semaphore, #tpu.memory_space<semaphore_mem>>)
      %slice3A_163 = vector.extract_strided_slice %get3A_53 {offsets = [8], sizes = [1], strides = [1]} : vector<16xi32> to vector<1xi32>
      %squeeze3A_164 = vector.extract %slice3A_163[0] : i32 from vector<1xi32>
      %mul3A_165 = arith.constant 16 : i32
      %mul3A_166 = arith.muli %scan3A_49, %mul3A_165 : i32
      %add3A_167 = arith.constant 8 : i32
      %add3A_168 = arith.addi %mul3A_166, %add3A_167 : i32
      %dma_start3A_169 = arith.constant 0 : i32
      %dma_start3A_170 = tpu.memref_slice %arg15[%add3A_168, %dma_start3A_169] : memref<512x32xf32, #tpu.memory_space<vmem>> -> memref<1x32xf32, #tpu.memory_space<vmem>>
      %dma_start3A_171 = arith.constant 0 : i32
      %dma_start3A_172 = tpu.memref_slice %arg5[%squeeze3A_164, %dma_start3A_171] : memref<1000001x32xf32, #tpu.memory_space<hbm>> -> memref<1x32xf32, #tpu.memory_space<hbm>>
      %dma_start3A_173 = arith.constant 0 : i32
      %dma_start3A_174 = tpu.memref_slice %arg15[%add3A_168, %dma_start3A_173] : memref<512x32xf32, #tpu.memory_space<vmem>> -> memref<1x32xf32, #tpu.memory_space<vmem>>
      %dma_start3A_175 = arith.constant 0 : i32
      %dma_start3A_176 = tpu.memref_slice %arg5[%squeeze3A_164, %dma_start3A_175] : memref<1000001x32xf32, #tpu.memory_space<hbm>> -> memref<1x32xf32, #tpu.memory_space<hbm>>
      tpu.enqueue_dma source(%dma_start3A_176 : memref<1x32xf32, #tpu.memory_space<hbm>>) target(%dma_start3A_174 : memref<1x32xf32, #tpu.memory_space<vmem>>) target_semaphore(%arg16 : memref<!tpu.dma_semaphore, #tpu.memory_space<semaphore_mem>>)
      %slice3A_177 = vector.extract_strided_slice %get3A_53 {offsets = [9], sizes = [1], strides = [1]} : vector<16xi32> to vector<1xi32>
      %squeeze3A_178 = vector.extract %slice3A_177[0] : i32 from vector<1xi32>
      %mul3A_179 = arith.constant 16 : i32
      %mul3A_180 = arith.muli %scan3A_49, %mul3A_179 : i32
      %add3A_181 = arith.constant 9 : i32
      %add3A_182 = arith.addi %mul3A_180, %add3A_181 : i32
      %dma_start3A_183 = arith.constant 0 : i32
      %dma_start3A_184 = tpu.memref_slice %arg15[%add3A_182, %dma_start3A_183] : memref<512x32xf32, #tpu.memory_space<vmem>> -> memref<1x32xf32, #tpu.memory_space<vmem>>
      %dma_start3A_185 = arith.constant 0 : i32
      %dma_start3A_186 = tpu.memref_slice %arg5[%squeeze3A_178, %dma_start3A_185] : memref<1000001x32xf32, #tpu.memory_space<hbm>> -> memref<1x32xf32, #tpu.memory_space<hbm>>
      %dma_start3A_187 = arith.constant 0 : i32
      %dma_start3A_188 = tpu.memref_slice %arg15[%add3A_182, %dma_start3A_187] : memref<512x32xf32, #tpu.memory_space<vmem>> -> memref<1x32xf32, #tpu.memory_space<vmem>>
      %dma_start3A_189 = arith.constant 0 : i32
      %dma_start3A_190 = tpu.memref_slice %arg5[%squeeze3A_178, %dma_start3A_189] : memref<1000001x32xf32, #tpu.memory_space<hbm>> -> memref<1x32xf32, #tpu.memory_space<hbm>>
      tpu.enqueue_dma source(%dma_start3A_190 : memref<1x32xf32, #tpu.memory_space<hbm>>) target(%dma_start3A_188 : memref<1x32xf32, #tpu.memory_space<vmem>>) target_semaphore(%arg16 : memref<!tpu.dma_semaphore, #tpu.memory_space<semaphore_mem>>)
      %slice3A_191 = vector.extract_strided_slice %get3A_53 {offsets = [10], sizes = [1], strides = [1]} : vector<16xi32> to vector<1xi32>
      %squeeze3A_192 = vector.extract %slice3A_191[0] : i32 from vector<1xi32>
      %mul3A_193 = arith.constant 16 : i32
      %mul3A_194 = arith.muli %scan3A_49, %mul3A_193 : i32
      %add3A_195 = arith.constant 10 : i32
      %add3A_196 = arith.addi %mul3A_194, %add3A_195 : i32
      %dma_start3A_197 = arith.constant 0 : i32
      %dma_start3A_198 = tpu.memref_slice %arg15[%add3A_196, %dma_start3A_197] : memref<512x32xf32, #tpu.memory_space<vmem>> -> memref<1x32xf32, #tpu.memory_space<vmem>>
      %dma_start3A_199 = arith.constant 0 : i32
      %dma_start3A_200 = tpu.memref_slice %arg5[%squeeze3A_192, %dma_start3A_199] : memref<1000001x32xf32, #tpu.memory_space<hbm>> -> memref<1x32xf32, #tpu.memory_space<hbm>>
      %dma_start3A_201 = arith.constant 0 : i32
      %dma_start3A_202 = tpu.memref_slice %arg15[%add3A_196, %dma_start3A_201] : memref<512x32xf32, #tpu.memory_space<vmem>> -> memref<1x32xf32, #tpu.memory_space<vmem>>
      %dma_start3A_203 = arith.constant 0 : i32
      %dma_start3A_204 = tpu.memref_slice %arg5[%squeeze3A_192, %dma_start3A_203] : memref<1000001x32xf32, #tpu.memory_space<hbm>> -> memref<1x32xf32, #tpu.memory_space<hbm>>
      tpu.enqueue_dma source(%dma_start3A_204 : memref<1x32xf32, #tpu.memory_space<hbm>>) target(%dma_start3A_202 : memref<1x32xf32, #tpu.memory_space<vmem>>) target_semaphore(%arg16 : memref<!tpu.dma_semaphore, #tpu.memory_space<semaphore_mem>>)
      %slice3A_205 = vector.extract_strided_slice %get3A_53 {offsets = [11], sizes = [1], strides = [1]} : vector<16xi32> to vector<1xi32>
      %squeeze3A_206 = vector.extract %slice3A_205[0] : i32 from vector<1xi32>
      %mul3A_207 = arith.constant 16 : i32
      %mul3A_208 = arith.muli %scan3A_49, %mul3A_207 : i32
      %add3A_209 = arith.constant 11 : i32
      %add3A_210 = arith.addi %mul3A_208, %add3A_209 : i32
      %dma_start3A_211 = arith.constant 0 : i32
      %dma_start3A_212 = tpu.memref_slice %arg15[%add3A_210, %dma_start3A_211] : memref<512x32xf32, #tpu.memory_space<vmem>> -> memref<1x32xf32, #tpu.memory_space<vmem>>
      %dma_start3A_213 = arith.constant 0 : i32
      %dma_start3A_214 = tpu.memref_slice %arg5[%squeeze3A_206, %dma_start3A_213] : memref<1000001x32xf32, #tpu.memory_space<hbm>> -> memref<1x32xf32, #tpu.memory_space<hbm>>
      %dma_start3A_215 = arith.constant 0 : i32
      %dma_start3A_216 = tpu.memref_slice %arg15[%add3A_210, %dma_start3A_215] : memref<512x32xf32, #tpu.memory_space<vmem>> -> memref<1x32xf32, #tpu.memory_space<vmem>>
      %dma_start3A_217 = arith.constant 0 : i32
      %dma_start3A_218 = tpu.memref_slice %arg5[%squeeze3A_206, %dma_start3A_217] : memref<1000001x32xf32, #tpu.memory_space<hbm>> -> memref<1x32xf32, #tpu.memory_space<hbm>>
      tpu.enqueue_dma source(%dma_start3A_218 : memref<1x32xf32, #tpu.memory_space<hbm>>) target(%dma_start3A_216 : memref<1x32xf32, #tpu.memory_space<vmem>>) target_semaphore(%arg16 : memref<!tpu.dma_semaphore, #tpu.memory_space<semaphore_mem>>)
      %slice3A_219 = vector.extract_strided_slice %get3A_53 {offsets = [12], sizes = [1], strides = [1]} : vector<16xi32> to vector<1xi32>
      %squeeze3A_220 = vector.extract %slice3A_219[0] : i32 from vector<1xi32>
      %mul3A_221 = arith.constant 16 : i32
      %mul3A_222 = arith.muli %scan3A_49, %mul3A_221 : i32
      %add3A_223 = arith.constant 12 : i32
      %add3A_224 = arith.addi %mul3A_222, %add3A_223 : i32
      %dma_start3A_225 = arith.constant 0 : i32
      %dma_start3A_226 = tpu.memref_slice %arg15[%add3A_224, %dma_start3A_225] : memref<512x32xf32, #tpu.memory_space<vmem>> -> memref<1x32xf32, #tpu.memory_space<vmem>>
      %dma_start3A_227 = arith.constant 0 : i32
      %dma_start3A_228 = tpu.memref_slice %arg5[%squeeze3A_220, %dma_start3A_227] : memref<1000001x32xf32, #tpu.memory_space<hbm>> -> memref<1x32xf32, #tpu.memory_space<hbm>>
      %dma_start3A_229 = arith.constant 0 : i32
      %dma_start3A_230 = tpu.memref_slice %arg15[%add3A_224, %dma_start3A_229] : memref<512x32xf32, #tpu.memory_space<vmem>> -> memref<1x32xf32, #tpu.memory_space<vmem>>
      %dma_start3A_231 = arith.constant 0 : i32
      %dma_start3A_232 = tpu.memref_slice %arg5[%squeeze3A_220, %dma_start3A_231] : memref<1000001x32xf32, #tpu.memory_space<hbm>> -> memref<1x32xf32, #tpu.memory_space<hbm>>
      tpu.enqueue_dma source(%dma_start3A_232 : memref<1x32xf32, #tpu.memory_space<hbm>>) target(%dma_start3A_230 : memref<1x32xf32, #tpu.memory_space<vmem>>) target_semaphore(%arg16 : memref<!tpu.dma_semaphore, #tpu.memory_space<semaphore_mem>>)
      %slice3A_233 = vector.extract_strided_slice %get3A_53 {offsets = [13], sizes = [1], strides = [1]} : vector<16xi32> to vector<1xi32>
      %squeeze3A_234 = vector.extract %slice3A_233[0] : i32 from vector<1xi32>
      %mul3A_235 = arith.constant 16 : i32
      %mul3A_236 = arith.muli %scan3A_49, %mul3A_235 : i32
      %add3A_237 = arith.constant 13 : i32
      %add3A_238 = arith.addi %mul3A_236, %add3A_237 : i32
      %dma_start3A_239 = arith.constant 0 : i32
      %dma_start3A_240 = tpu.memref_slice %arg15[%add3A_238, %dma_start3A_239] : memref<512x32xf32, #tpu.memory_space<vmem>> -> memref<1x32xf32, #tpu.memory_space<vmem>>
      %dma_start3A_241 = arith.constant 0 : i32
      %dma_start3A_242 = tpu.memref_slice %arg5[%squeeze3A_234, %dma_start3A_241] : memref<1000001x32xf32, #tpu.memory_space<hbm>> -> memref<1x32xf32, #tpu.memory_space<hbm>>
      %dma_start3A_243 = arith.constant 0 : i32
      %dma_start3A_244 = tpu.memref_slice %arg15[%add3A_238, %dma_start3A_243] : memref<512x32xf32, #tpu.memory_space<vmem>> -> memref<1x32xf32, #tpu.memory_space<vmem>>
      %dma_start3A_245 = arith.constant 0 : i32
      %dma_start3A_246 = tpu.memref_slice %arg5[%squeeze3A_234, %dma_start3A_245] : memref<1000001x32xf32, #tpu.memory_space<hbm>> -> memref<1x32xf32, #tpu.memory_space<hbm>>
      tpu.enqueue_dma source(%dma_start3A_246 : memref<1x32xf32, #tpu.memory_space<hbm>>) target(%dma_start3A_244 : memref<1x32xf32, #tpu.memory_space<vmem>>) target_semaphore(%arg16 : memref<!tpu.dma_semaphore, #tpu.memory_space<semaphore_mem>>)
      %slice3A_247 = vector.extract_strided_slice %get3A_53 {offsets = [14], sizes = [1], strides = [1]} : vector<16xi32> to vector<1xi32>
      %squeeze3A_248 = vector.extract %slice3A_247[0] : i32 from vector<1xi32>
      %mul3A_249 = arith.constant 16 : i32
      %mul3A_250 = arith.muli %scan3A_49, %mul3A_249 : i32
      %add3A_251 = arith.constant 14 : i32
      %add3A_252 = arith.addi %mul3A_250, %add3A_251 : i32
      %dma_start3A_253 = arith.constant 0 : i32
      %dma_start3A_254 = tpu.memref_slice %arg15[%add3A_252, %dma_start3A_253] : memref<512x32xf32, #tpu.memory_space<vmem>> -> memref<1x32xf32, #tpu.memory_space<vmem>>
      %dma_start3A_255 = arith.constant 0 : i32
      %dma_start3A_256 = tpu.memref_slice %arg5[%squeeze3A_248, %dma_start3A_255] : memref<1000001x32xf32, #tpu.memory_space<hbm>> -> memref<1x32xf32, #tpu.memory_space<hbm>>
      %dma_start3A_257 = arith.constant 0 : i32
      %dma_start3A_258 = tpu.memref_slice %arg15[%add3A_252, %dma_start3A_257] : memref<512x32xf32, #tpu.memory_space<vmem>> -> memref<1x32xf32, #tpu.memory_space<vmem>>
      %dma_start3A_259 = arith.constant 0 : i32
      %dma_start3A_260 = tpu.memref_slice %arg5[%squeeze3A_248, %dma_start3A_259] : memref<1000001x32xf32, #tpu.memory_space<hbm>> -> memref<1x32xf32, #tpu.memory_space<hbm>>
      tpu.enqueue_dma source(%dma_start3A_260 : memref<1x32xf32, #tpu.memory_space<hbm>>) target(%dma_start3A_258 : memref<1x32xf32, #tpu.memory_space<vmem>>) target_semaphore(%arg16 : memref<!tpu.dma_semaphore, #tpu.memory_space<semaphore_mem>>)
      %slice3A_261 = vector.extract_strided_slice %get3A_53 {offsets = [15], sizes = [1], strides = [1]} : vector<16xi32> to vector<1xi32>
      %squeeze3A_262 = vector.extract %slice3A_261[0] : i32 from vector<1xi32>
      %mul3A_263 = arith.constant 16 : i32
      %mul3A_264 = arith.muli %scan3A_49, %mul3A_263 : i32
      %add3A_265 = arith.constant 15 : i32
      %add3A_266 = arith.addi %mul3A_264, %add3A_265 : i32
      %dma_start3A_267 = arith.constant 0 : i32
      %dma_start3A_268 = tpu.memref_slice %arg15[%add3A_266, %dma_start3A_267] : memref<512x32xf32, #tpu.memory_space<vmem>> -> memref<1x32xf32, #tpu.memory_space<vmem>>
      %dma_start3A_269 = arith.constant 0 : i32
      %dma_start3A_270 = tpu.memref_slice %arg5[%squeeze3A_262, %dma_start3A_269] : memref<1000001x32xf32, #tpu.memory_space<hbm>> -> memref<1x32xf32, #tpu.memory_space<hbm>>
      %dma_start3A_271 = arith.constant 0 : i32
      %dma_start3A_272 = tpu.memref_slice %arg15[%add3A_266, %dma_start3A_271] : memref<512x32xf32, #tpu.memory_space<vmem>> -> memref<1x32xf32, #tpu.memory_space<vmem>>
      %dma_start3A_273 = arith.constant 0 : i32
      %dma_start3A_274 = tpu.memref_slice %arg5[%squeeze3A_262, %dma_start3A_273] : memref<1000001x32xf32, #tpu.memory_space<hbm>> -> memref<1x32xf32, #tpu.memory_space<hbm>>
      tpu.enqueue_dma source(%dma_start3A_274 : memref<1x32xf32, #tpu.memory_space<hbm>>) target(%dma_start3A_272 : memref<1x32xf32, #tpu.memory_space<vmem>>) target_semaphore(%arg16 : memref<!tpu.dma_semaphore, #tpu.memory_space<semaphore_mem>>)
    }
    %scan3A_42 = arith.constant 32 : i32
    %dma_wait3A_43 = arith.constant 0 : i32
    %dma_wait3A_44 = arith.constant 0 : i32
    %dma_wait3A_45 = tpu.memref_slice %arg5[%dma_wait3A_43, %dma_wait3A_44] : memref<1000001x32xf32, #tpu.memory_space<hbm>> -> memref<512x32xf32, #tpu.memory_space<hbm>>
    %dma_wait3A_46 = arith.constant 0 : i32
    %dma_wait3A_47 = arith.constant 0 : i32
    %dma_wait3A_48 = tpu.memref_slice %arg5[%dma_wait3A_46, %dma_wait3A_47] : memref<1000001x32xf32, #tpu.memory_space<hbm>> -> memref<512x32xf32, #tpu.memory_space<hbm>>
    tpu.wait_dma2 semaphore(%arg16 : memref<!tpu.dma_semaphore, #tpu.memory_space<semaphore_mem>>) src(%dma_wait3A_48 : memref<512x32xf32, #tpu.memory_space<hbm>>) dst(%arg15 : memref<512x32xf32, #tpu.memory_space<vmem>>)
    "tpu.region"() ({
      %run_scoped3A = tpu.sem_alloc : memref<!tpu.dma_semaphore, #tpu.memory_space<semaphore_mem>>
      %dma_start3A = arith.constant 0 : i32
      %dma_start3A_49 = tpu.memref_slice %arg13[%mul3A_2, %dma_start3A] : memref<16384x32xf32, #tpu.memory_space<hbm>> -> memref<512x32xf32, #tpu.memory_space<hbm>>
      %dma_start3A_50 = arith.constant 0 : i32
      %dma_start3A_51 = tpu.memref_slice %arg13[%mul3A_2, %dma_start3A_50] : memref<16384x32xf32, #tpu.memory_space<hbm>> -> memref<512x32xf32, #tpu.memory_space<hbm>>
      tpu.enqueue_dma source(%arg15 : memref<512x32xf32, #tpu.memory_space<vmem>>) target(%dma_start3A_51 : memref<512x32xf32, #tpu.memory_space<hbm>>) target_semaphore(%run_scoped3A : memref<!tpu.dma_semaphore, #tpu.memory_space<semaphore_mem>>)
      %dma_wait3A_52 = arith.constant 0 : i32
      %dma_wait3A_53 = tpu.memref_slice %arg13[%mul3A_2, %dma_wait3A_52] : memref<16384x32xf32, #tpu.memory_space<hbm>> -> memref<512x32xf32, #tpu.memory_space<hbm>>
      %dma_wait3A_54 = arith.constant 0 : i32
      %dma_wait3A_55 = tpu.memref_slice %arg13[%mul3A_2, %dma_wait3A_54] : memref<16384x32xf32, #tpu.memory_space<hbm>> -> memref<512x32xf32, #tpu.memory_space<hbm>>
      tpu.wait_dma2 semaphore(%run_scoped3A : memref<!tpu.dma_semaphore, #tpu.memory_space<semaphore_mem>>) src(%arg15 : memref<512x32xf32, #tpu.memory_space<vmem>>) dst(%dma_wait3A_55 : memref<512x32xf32, #tpu.memory_space<hbm>>)
      tpu.yield
    }) : () -> ()
    return
  }
}

module attributes {stable_mosaic.version = 14 : i64} {
  func.func @_mlp_body(%arg0: i32, %arg1: memref<2048x32xf32, #tpu.memory_space<vmem>>, %arg2: memref<2048x32xf32, #tpu.memory_space<vmem>>, %arg3: memref<2048x32xf32, #tpu.memory_space<vmem>>, %arg4: memref<2048x32xf32, #tpu.memory_space<vmem>>, %arg5: memref<32x64xf32, #tpu.memory_space<vmem>>, %arg6: memref<32x64xf32, #tpu.memory_space<vmem>>, %arg7: memref<32x64xf32, #tpu.memory_space<vmem>>, %arg8: memref<32x64xf32, #tpu.memory_space<vmem>>, %arg9: memref<1x64xf32, #tpu.memory_space<vmem>>, %arg10: memref<64x32xf32, #tpu.memory_space<vmem>>, %arg11: memref<1x32xf32, #tpu.memory_space<vmem>>, %arg12: memref<32x16xf32, #tpu.memory_space<vmem>>, %arg13: memref<1x16xf32, #tpu.memory_space<vmem>>, %arg14: memref<16x8xf32, #tpu.memory_space<vmem>>, %arg15: memref<1x8xf32, #tpu.memory_space<vmem>>, %arg16: memref<8x1xf32, #tpu.memory_space<vmem>>, %arg17: memref<1x1xf32, #tpu.memory_space<vmem>>, %arg18: memref<2048xf32, #tpu.memory_space<vmem>>) attributes {dimension_semantics = [#tpu.dimension_semantics<arbitrary>], iteration_bounds = array<i64: 8>, scalar_prefetch = 0 : i64, scratch_operands = 0 : i64, tpu.core_type = #tpu.core_type<tc>, window_params = [{transform_indices = @transform_0, window_bounds = array<i64: 2048, 32>}, {transform_indices = @transform_1, window_bounds = array<i64: 2048, 32>}, {transform_indices = @transform_2, window_bounds = array<i64: 2048, 32>}, {transform_indices = @transform_3, window_bounds = array<i64: 2048, 32>}, {pipeline_mode = #tpu.pipeline_mode<synchronous>, transform_indices = @transform_4, window_bounds = array<i64: 32, 64>}, {pipeline_mode = #tpu.pipeline_mode<synchronous>, transform_indices = @transform_5, window_bounds = array<i64: 32, 64>}, {pipeline_mode = #tpu.pipeline_mode<synchronous>, transform_indices = @transform_6, window_bounds = array<i64: 32, 64>}, {pipeline_mode = #tpu.pipeline_mode<synchronous>, transform_indices = @transform_7, window_bounds = array<i64: 32, 64>}, {pipeline_mode = #tpu.pipeline_mode<synchronous>, transform_indices = @transform_8, window_bounds = array<i64: 1, 64>}, {pipeline_mode = #tpu.pipeline_mode<synchronous>, transform_indices = @transform_9, window_bounds = array<i64: 64, 32>}, {pipeline_mode = #tpu.pipeline_mode<synchronous>, transform_indices = @transform_10, window_bounds = array<i64: 1, 32>}, {pipeline_mode = #tpu.pipeline_mode<synchronous>, transform_indices = @transform_11, window_bounds = array<i64: 32, 16>}, {pipeline_mode = #tpu.pipeline_mode<synchronous>, transform_indices = @transform_12, window_bounds = array<i64: 1, 16>}, {pipeline_mode = #tpu.pipeline_mode<synchronous>, transform_indices = @transform_13, window_bounds = array<i64: 16, 8>}, {pipeline_mode = #tpu.pipeline_mode<synchronous>, transform_indices = @transform_14, window_bounds = array<i64: 1, 8>}, {pipeline_mode = #tpu.pipeline_mode<synchronous>, transform_indices = @transform_15, window_bounds = array<i64: 8, 1>}, {pipeline_mode = #tpu.pipeline_mode<synchronous>, transform_indices = @transform_16, window_bounds = array<i64: 1, 1>}, {transform_indices = @transform_17, window_bounds = array<i64: 2048>}]} {
    %get3A = arith.constant 0 : index
    %get3A_0 = arith.constant 0 : index
    %get3A_1 = vector.load %arg1[%get3A, %get3A_0] : memref<2048x32xf32, #tpu.memory_space<vmem>>, vector<2048x32xf32>
    %get3A_2 = arith.constant 0 : index
    %get3A_3 = arith.constant 0 : index
    %get3A_4 = vector.load %arg5[%get3A_2, %get3A_3] : memref<32x64xf32, #tpu.memory_space<vmem>>, vector<32x64xf32>
    %dot_general3A = arith.constant dense<0.000000e+00> : vector<2048x64xf32>
    %dot_general3A_5 = tpu.matmul %get3A_1, %get3A_4, %dot_general3A {dimension_numbers = #tpu.dot_dimension_numbers<[1], [0], [0], [1], [0, 0, 1, 1], [], []>, transpose_lhs_hint = false} : vector<2048x32xf32>, vector<32x64xf32>, vector<2048x64xf32> -> vector<2048x64xf32>
    %get3A_6 = arith.constant 0 : index
    %get3A_7 = arith.constant 0 : index
    %get3A_8 = vector.load %arg2[%get3A_6, %get3A_7] : memref<2048x32xf32, #tpu.memory_space<vmem>>, vector<2048x32xf32>
    %get3A_9 = arith.constant 0 : index
    %get3A_10 = arith.constant 0 : index
    %get3A_11 = vector.load %arg6[%get3A_9, %get3A_10] : memref<32x64xf32, #tpu.memory_space<vmem>>, vector<32x64xf32>
    %dot_general3A_12 = arith.constant dense<0.000000e+00> : vector<2048x64xf32>
    %dot_general3A_13 = tpu.matmul %get3A_8, %get3A_11, %dot_general3A_12 {dimension_numbers = #tpu.dot_dimension_numbers<[1], [0], [0], [1], [0, 0, 1, 1], [], []>, transpose_lhs_hint = false} : vector<2048x32xf32>, vector<32x64xf32>, vector<2048x64xf32> -> vector<2048x64xf32>
    %add3A = arith.addf %dot_general3A_5, %dot_general3A_13 : vector<2048x64xf32>
    %get3A_14 = arith.constant 0 : index
    %get3A_15 = arith.constant 0 : index
    %get3A_16 = vector.load %arg3[%get3A_14, %get3A_15] : memref<2048x32xf32, #tpu.memory_space<vmem>>, vector<2048x32xf32>
    %get3A_17 = arith.constant 0 : index
    %get3A_18 = arith.constant 0 : index
    %get3A_19 = vector.load %arg7[%get3A_17, %get3A_18] : memref<32x64xf32, #tpu.memory_space<vmem>>, vector<32x64xf32>
    %dot_general3A_20 = arith.constant dense<0.000000e+00> : vector<2048x64xf32>
    %dot_general3A_21 = tpu.matmul %get3A_16, %get3A_19, %dot_general3A_20 {dimension_numbers = #tpu.dot_dimension_numbers<[1], [0], [0], [1], [0, 0, 1, 1], [], []>, transpose_lhs_hint = false} : vector<2048x32xf32>, vector<32x64xf32>, vector<2048x64xf32> -> vector<2048x64xf32>
    %add3A_22 = arith.addf %add3A, %dot_general3A_21 : vector<2048x64xf32>
    %get3A_23 = arith.constant 0 : index
    %get3A_24 = arith.constant 0 : index
    %get3A_25 = vector.load %arg4[%get3A_23, %get3A_24] : memref<2048x32xf32, #tpu.memory_space<vmem>>, vector<2048x32xf32>
    %get3A_26 = arith.constant 0 : index
    %get3A_27 = arith.constant 0 : index
    %get3A_28 = vector.load %arg8[%get3A_26, %get3A_27] : memref<32x64xf32, #tpu.memory_space<vmem>>, vector<32x64xf32>
    %dot_general3A_29 = arith.constant dense<0.000000e+00> : vector<2048x64xf32>
    %dot_general3A_30 = tpu.matmul %get3A_25, %get3A_28, %dot_general3A_29 {dimension_numbers = #tpu.dot_dimension_numbers<[1], [0], [0], [1], [0, 0, 1, 1], [], []>, transpose_lhs_hint = false} : vector<2048x32xf32>, vector<32x64xf32>, vector<2048x64xf32> -> vector<2048x64xf32>
    %add3A_31 = arith.addf %add3A_22, %dot_general3A_30 : vector<2048x64xf32>
    %get3A_32 = arith.constant 0 : index
    %get3A_33 = arith.constant 0 : index
    %get3A_34 = vector.load %arg9[%get3A_32, %get3A_33] : memref<1x64xf32, #tpu.memory_space<vmem>>, vector<1x64xf32>
    %add3A_35 = vector.broadcast %get3A_34 : vector<1x64xf32> to vector<2048x64xf32>
    %add3A_36 = arith.addf %add3A_31, %add3A_35 : vector<2048x64xf32>
    %max3A = arith.constant 0.000000e+00 : f32
    %max3A_37 = vector.broadcast %max3A : f32 to vector<2048x64xf32>
    %max3A_38 = arith.maximumf %add3A_36, %max3A_37 : vector<2048x64xf32>
    %get3A_39 = arith.constant 0 : index
    %get3A_40 = arith.constant 0 : index
    %get3A_41 = vector.load %arg10[%get3A_39, %get3A_40] : memref<64x32xf32, #tpu.memory_space<vmem>>, vector<64x32xf32>
    %dot_general3A_42 = arith.constant dense<0.000000e+00> : vector<2048x32xf32>
    %dot_general3A_43 = tpu.matmul %max3A_38, %get3A_41, %dot_general3A_42 {dimension_numbers = #tpu.dot_dimension_numbers<[1], [0], [0], [1], [0, 0, 1, 1], [], []>, transpose_lhs_hint = false} : vector<2048x64xf32>, vector<64x32xf32>, vector<2048x32xf32> -> vector<2048x32xf32>
    %get3A_44 = arith.constant 0 : index
    %get3A_45 = arith.constant 0 : index
    %get3A_46 = vector.load %arg11[%get3A_44, %get3A_45] : memref<1x32xf32, #tpu.memory_space<vmem>>, vector<1x32xf32>
    %add3A_47 = vector.broadcast %get3A_46 : vector<1x32xf32> to vector<2048x32xf32>
    %add3A_48 = arith.addf %dot_general3A_43, %add3A_47 : vector<2048x32xf32>
    %max3A_49 = arith.constant 0.000000e+00 : f32
    %max3A_50 = vector.broadcast %max3A_49 : f32 to vector<2048x32xf32>
    %max3A_51 = arith.maximumf %add3A_48, %max3A_50 : vector<2048x32xf32>
    %get3A_52 = arith.constant 0 : index
    %get3A_53 = arith.constant 0 : index
    %get3A_54 = vector.load %arg12[%get3A_52, %get3A_53] : memref<32x16xf32, #tpu.memory_space<vmem>>, vector<32x16xf32>
    %dot_general3A_55 = arith.constant dense<0.000000e+00> : vector<2048x16xf32>
    %dot_general3A_56 = tpu.matmul %max3A_51, %get3A_54, %dot_general3A_55 {dimension_numbers = #tpu.dot_dimension_numbers<[1], [0], [0], [1], [0, 0, 1, 1], [], []>, transpose_lhs_hint = false} : vector<2048x32xf32>, vector<32x16xf32>, vector<2048x16xf32> -> vector<2048x16xf32>
    %get3A_57 = arith.constant 0 : index
    %get3A_58 = arith.constant 0 : index
    %get3A_59 = vector.load %arg13[%get3A_57, %get3A_58] : memref<1x16xf32, #tpu.memory_space<vmem>>, vector<1x16xf32>
    %add3A_60 = vector.broadcast %get3A_59 : vector<1x16xf32> to vector<2048x16xf32>
    %add3A_61 = arith.addf %dot_general3A_56, %add3A_60 : vector<2048x16xf32>
    %max3A_62 = arith.constant 0.000000e+00 : f32
    %max3A_63 = vector.broadcast %max3A_62 : f32 to vector<2048x16xf32>
    %max3A_64 = arith.maximumf %add3A_61, %max3A_63 : vector<2048x16xf32>
    %get3A_65 = arith.constant 0 : index
    %get3A_66 = arith.constant 0 : index
    %get3A_67 = vector.load %arg14[%get3A_65, %get3A_66] : memref<16x8xf32, #tpu.memory_space<vmem>>, vector<16x8xf32>
    %dot_general3A_68 = arith.constant dense<0.000000e+00> : vector<2048x8xf32>
    %dot_general3A_69 = tpu.matmul %max3A_64, %get3A_67, %dot_general3A_68 {dimension_numbers = #tpu.dot_dimension_numbers<[1], [0], [0], [1], [0, 0, 1, 1], [], []>, transpose_lhs_hint = false} : vector<2048x16xf32>, vector<16x8xf32>, vector<2048x8xf32> -> vector<2048x8xf32>
    %get3A_70 = arith.constant 0 : index
    %get3A_71 = arith.constant 0 : index
    %get3A_72 = vector.load %arg15[%get3A_70, %get3A_71] : memref<1x8xf32, #tpu.memory_space<vmem>>, vector<1x8xf32>
    %add3A_73 = vector.broadcast %get3A_72 : vector<1x8xf32> to vector<2048x8xf32>
    %add3A_74 = arith.addf %dot_general3A_69, %add3A_73 : vector<2048x8xf32>
    %max3A_75 = arith.constant 0.000000e+00 : f32
    %max3A_76 = vector.broadcast %max3A_75 : f32 to vector<2048x8xf32>
    %max3A_77 = arith.maximumf %add3A_74, %max3A_76 : vector<2048x8xf32>
    %get3A_78 = arith.constant 0 : index
    %get3A_79 = arith.constant 0 : index
    %get3A_80 = vector.load %arg16[%get3A_78, %get3A_79] : memref<8x1xf32, #tpu.memory_space<vmem>>, vector<8x1xf32>
    %dot_general3A_81 = arith.constant dense<0.000000e+00> : vector<2048x1xf32>
    %dot_general3A_82 = tpu.matmul %max3A_77, %get3A_80, %dot_general3A_81 {dimension_numbers = #tpu.dot_dimension_numbers<[1], [0], [0], [1], [0, 0, 1, 1], [], []>, transpose_lhs_hint = false} : vector<2048x8xf32>, vector<8x1xf32>, vector<2048x1xf32> -> vector<2048x1xf32>
    %get3A_83 = arith.constant 0 : index
    %get3A_84 = arith.constant 0 : index
    %get3A_85 = vector.load %arg17[%get3A_83, %get3A_84] : memref<1x1xf32, #tpu.memory_space<vmem>>, vector<1x1xf32>
    %add3A_86 = vector.broadcast %get3A_85 : vector<1x1xf32> to vector<2048x1xf32>
    %add3A_87 = arith.addf %dot_general3A_82, %add3A_86 : vector<2048x1xf32>
    %squeeze3A = vector.shape_cast %add3A_87 : vector<2048x1xf32> to vector<2048xf32>
    %swap3A = arith.constant 0 : index
    %swap3A_88 = vector.load %arg18[%swap3A] : memref<2048xf32, #tpu.memory_space<vmem>>, vector<2048xf32>
    tpu.vector_store %arg18[%swap3A], %squeeze3A {strides = array<i32>} : memref<2048xf32, #tpu.memory_space<vmem>>, vector<2048xf32>,
    return
  }
  func.func @transform_0(%arg0: i32) -> (i32, i32) {
    %c0_i32 = arith.constant 0 : i32
    %c0_i32_0 = arith.constant 0 : i32
    return %arg0, %c0_i32 : i32, i32
  }
  func.func @transform_1(%arg0: i32) -> (i32, i32) {
    %c0_i32 = arith.constant 0 : i32
    %c0_i32_0 = arith.constant 0 : i32
    return %arg0, %c0_i32 : i32, i32
  }
  func.func @transform_2(%arg0: i32) -> (i32, i32) {
    %c0_i32 = arith.constant 0 : i32
    %c0_i32_0 = arith.constant 0 : i32
    return %arg0, %c0_i32 : i32, i32
  }
  func.func @transform_3(%arg0: i32) -> (i32, i32) {
    %c0_i32 = arith.constant 0 : i32
    %c0_i32_0 = arith.constant 0 : i32
    return %arg0, %c0_i32 : i32, i32
  }
  func.func @transform_4(%arg0: i32) -> (i32, i32) {
    %c0_i32 = arith.constant 0 : i32
    %c0_i32_0 = arith.constant 0 : i32
    %c0_i32_1 = arith.constant 0 : i32
    return %c0_i32, %c0_i32_0 : i32, i32
  }
  func.func @transform_5(%arg0: i32) -> (i32, i32) {
    %c0_i32 = arith.constant 0 : i32
    %c0_i32_0 = arith.constant 0 : i32
    %c0_i32_1 = arith.constant 0 : i32
    return %c0_i32, %c0_i32_0 : i32, i32
  }
  func.func @transform_6(%arg0: i32) -> (i32, i32) {
    %c0_i32 = arith.constant 0 : i32
    %c0_i32_0 = arith.constant 0 : i32
    %c0_i32_1 = arith.constant 0 : i32
    return %c0_i32, %c0_i32_0 : i32, i32
  }
  func.func @transform_7(%arg0: i32) -> (i32, i32) {
    %c0_i32 = arith.constant 0 : i32
    %c0_i32_0 = arith.constant 0 : i32
    %c0_i32_1 = arith.constant 0 : i32
    return %c0_i32, %c0_i32_0 : i32, i32
  }
  func.func @transform_8(%arg0: i32) -> (i32, i32) {
    %c0_i32 = arith.constant 0 : i32
    %c0_i32_0 = arith.constant 0 : i32
    %c0_i32_1 = arith.constant 0 : i32
    return %c0_i32, %c0_i32_0 : i32, i32
  }
  func.func @transform_9(%arg0: i32) -> (i32, i32) {
    %c0_i32 = arith.constant 0 : i32
    %c0_i32_0 = arith.constant 0 : i32
    %c0_i32_1 = arith.constant 0 : i32
    return %c0_i32, %c0_i32_0 : i32, i32
  }
  func.func @transform_10(%arg0: i32) -> (i32, i32) {
    %c0_i32 = arith.constant 0 : i32
    %c0_i32_0 = arith.constant 0 : i32
    %c0_i32_1 = arith.constant 0 : i32
    return %c0_i32, %c0_i32_0 : i32, i32
  }
  func.func @transform_11(%arg0: i32) -> (i32, i32) {
    %c0_i32 = arith.constant 0 : i32
    %c0_i32_0 = arith.constant 0 : i32
    %c0_i32_1 = arith.constant 0 : i32
    return %c0_i32, %c0_i32_0 : i32, i32
  }
  func.func @transform_12(%arg0: i32) -> (i32, i32) {
    %c0_i32 = arith.constant 0 : i32
    %c0_i32_0 = arith.constant 0 : i32
    %c0_i32_1 = arith.constant 0 : i32
    return %c0_i32, %c0_i32_0 : i32, i32
  }
  func.func @transform_13(%arg0: i32) -> (i32, i32) {
    %c0_i32 = arith.constant 0 : i32
    %c0_i32_0 = arith.constant 0 : i32
    %c0_i32_1 = arith.constant 0 : i32
    return %c0_i32, %c0_i32_0 : i32, i32
  }
  func.func @transform_14(%arg0: i32) -> (i32, i32) {
    %c0_i32 = arith.constant 0 : i32
    %c0_i32_0 = arith.constant 0 : i32
    %c0_i32_1 = arith.constant 0 : i32
    return %c0_i32, %c0_i32_0 : i32, i32
  }
  func.func @transform_15(%arg0: i32) -> (i32, i32) {
    %c0_i32 = arith.constant 0 : i32
    %c0_i32_0 = arith.constant 0 : i32
    %c0_i32_1 = arith.constant 0 : i32
    return %c0_i32, %c0_i32_0 : i32, i32
  }
  func.func @transform_16(%arg0: i32) -> (i32, i32) {
    %c0_i32 = arith.constant 0 : i32
    %c0_i32_0 = arith.constant 0 : i32
    %c0_i32_1 = arith.constant 0 : i32
    return %c0_i32, %c0_i32_0 : i32, i32
  }
  func.func @transform_17(%arg0: i32) -> i32 {
    %c0_i32 = arith.constant 0 : i32
    return %arg0 : i32
  }
}

</mosaic_0001>

<sc_bundles>
// kernel: kernel.4.cloned.1.call-start
scs
__scs_entry_jumppad:
0x0: {  	(pc) =	sbr.rel $0x88, $3  }
0x1: {  	(tag) =	ssettag $0x0;
	lr =	simm.s32 $0x1  }
0x2: {  	[smem:$0x3F8F] =	sst lr;
	_ =	strace $0xD0000000  }
0x3: {  	_ = 	snop  }
0x4: {  	_ = 	snop  }
0x5: {  	_ = 	snop  }
0x6: {  	_ = 	snop  }
0x7: {  	_ = 	snop  }
__scs_overlays_trampoline_lowered:
0x8: {  	[smem:$0x3F9E] =	sst s0  }
0x9: {  	[smem:$0x3F9F] =	sst s1  }
0xa: {  	[smem:$0x3FA0] =	sst s2  }
0xb: {  	[smem:$0x3FA1] =	sst s3  }
0xc: {  	[smem:$0x3FA2] =	sst s4  }
0xd: {  	[smem:$0x3FA3] =	sst s5  }
0xe: {  	[smem:$0x3FA4] =	sst s6  }
0xf: {  	[smem:$0x3FA5] =	sst s7  }
0x10: {  	[smem:$0x3FA6] =	sst s8  }
0x11: {  	[smem:$0x3FA7] =	sst s9;
	s0 =	simm.s32 @!p0 $0x0  }
0x12: {  	s1 =	sld [smem:$0x3F8D];
	s0 =	simm.s32 @p0 $0x1  }
0x13: {  	[smem:$0x3FA8] =	sst s0;
	s0 =	simm.s32 @!p1 $0x0  }
0x14: {  	s2 =	sld [smem:$0x3F8C];
	s0 =	simm.s32 @p1 $0x1  }
0x15: {  	[smem:$0x3FA9] =	sst s0;
	s0 =	simm.s32 @!p2 $0x0  }
0x16: {  	s3 =	sld [smem:$0x3FDB];
	s0 =	simm.s32 @p2 $0x1  }
0x17: {  	s4 =	simm.s32 $0x1BF5;
	[smem:$0x3FAB] =	sst s0  }
0x18: {  	s0 =	sld [smem:$0x3F8E];
	_ =	swait.ge [sflag:s4], $0x0  }
0x19: {  	s7 =	sld [smem:$0x3F8F]  }
0x1a: {  	s8 =	sadd.s32 $0xFFFFE003, lr  }
0x1b: {  	s9 =	sadd.s32 $0xFFFFFEF7, lr;
	s5 =	simm.s32 $0xFFFFFFFF;
	p2 =	slt.u32 s8, $0xFFFFF086  }
0x1c: {  	p1 =	slt.u32 s9, $0xF7A;
	s5 =	simm.s32 @!p2 $0x0  }
0x1d: {  	s5 =	simm.s32 @p1 $0x1;
	p0 =	seq.s32 s7, s2  }
0x1e: {  	s7 =	smul.u32 @!p0 $0xF7A, s2;
	p2 =	seq.s32 @!p0 s5, $0x0  }
0x1f: {  	s9 =	smul.u32 $0xF7A, s1;
	s8 =	simm.s32 @!p0 $0x1BF5;
	p2 =	por !p2, p0  }
0x20: {  	[sflag:s8] =	ssyncset.s32 @!p0 $0xFFFFF086;
	s6 =	sadd.s32 @!p0 s3, s7;
	s7 =	simm.s32 @!p0 $0x108  }
0x21: {  	s3 =	sadd.s32 s3, s9;
	s6 =	sadd.s32 @!p0 $0x88, s6;
	s7 =	simm.s32 @p2 $0x1082  }
0x22: {  	[simem:s7], [sflag:s8] =	dma.local @!p0 [hbm:s6], $0xF7A  }
0x23: {  	s9 =	sor.u32 $0xD0000000, s2;
	s6 =	simm.s32 $0x108;
	_ =	swait.ge @!p0 [sflag:s8], $0x0  }
0x24: {  	s3 =	sadd.s32 $0x88, s3;
	s6 =	simm.s32 @!p1 $0x1082;
	[sflag:s4] =	ssyncset.s32 $0xFFFFF086  }
0x25: {  	[simem:s6], [sflag:s4] =	dma.local [hbm:s3], $0xF7A  }
0x26: {  	[smem:$0x3F8F] =	sst s1;
	(tag) =	ssettag s2;
	_ =	strace s9  }
0x27: {  	s1 =	sld [smem:$0x3F9F]  }
0x28: {  	s2 =	sld [smem:$0x3FA0]  }
0x29: {  	s4 =	sld [smem:$0x3FA2]  }
0x2a: {  	p0 =	seq.s32 s5, $0x0;
	s5 =	sld [smem:$0x3FA3]  }
0x2b: {  	s6 =	sld [smem:$0x3FA4]  }
0x2c: {  	s7 =	sld [smem:$0x3FA5]  }
0x2d: {  	s3 =	simm.s32 $0x108;
	s8 =	sld [smem:$0x3FA6]  }
0x2e: {  	s3 =	simm.s32 @!p0 $0x1082;
	s9 =	sld [smem:$0x3FA7]  }
0x2f: {  	lr =	sadd.s32 s0, s3;
	s0 =	sld [smem:$0x3F9E]  }
0x30: {  	s3 =	sld [smem:$0x3FA1]  }
0x31: {  	[smem:$0x3FAA] =	sst s10  }
0x32: {  	s10 =	sld [smem:$0x3FA8];
	_ =	sdelay $0x3  }
0x33: {  	p0 =	seq.s32 s10, $0x1;
	s10 =	sld [smem:$0x3FAA];
	_ =	sdelay $0x3  }
0x34: {  	[smem:$0x3FAA] =	sst s10  }
0x35: {  	s10 =	sld [smem:$0x3FA9];
	_ =	sdelay $0x3  }
0x36: {  	p1 =	seq.s32 s10, $0x1;
	s10 =	sld [smem:$0x3FAA];
	_ =	sdelay $0x3  }
0x37: {  	[smem:$0x3FAA] =	sst s10  }
0x38: {  	s10 =	sld [smem:$0x3FAB]  }
0x39: {  	_ = 	snop;
	(pc) =	sbr.ind lr, $3  }
0x3a: {  	_ = 	snop  }
0x3b: {  	_ = 	snop  }
0x3c: {  	p2 =	seq.s32 s10, $0x1;
	s10 =	sld [smem:$0x3FAA]  }
0x3d: {  	_ =	shalt  }
0x3e: {  	_ =	shalt  }
0x3f: {  	_ =	shalt  }
0x40: {  	_ =	shalt  }
0x41: {  	_ =	shalt  }
0x42: {  	_ =	shalt  }
0x43: {  	_ =	shalt  }
0x44: {  	_ =	shalt  }
0x45: {  	_ =	shalt  }
0x46: {  	_ =	shalt  }
0x47: {  	_ =	shalt  }
0x48: {  	_ =	shalt  }
0x49: {  	_ =	shalt  }
0x4a: {  	_ =	shalt  }
0x4b: {  	_ =	shalt  }
0x4c: {  	_ =	shalt  }
0x4d: {  	_ =	shalt  }
0x4e: {  	_ =	shalt  }
0x4f: {  	_ =	shalt  }
0x50: {  	_ =	shalt  }
0x51: {  	_ =	shalt  }
0x52: {  	_ =	shalt  }
0x53: {  	_ =	shalt  }
0x54: {  	_ =	shalt  }
0x55: {  	_ =	shalt  }
0x56: {  	_ =	shalt  }
0x57: {  	_ =	shalt  }
0x58: {  	_ =	shalt  }
0x59: {  	_ =	shalt  }
0x5a: {  	_ =	shalt  }
0x5b: {  	_ =	shalt  }
0x5c: {  	_ =	shalt  }
0x5d: {  	_ =	shalt  }
0x5e: {  	_ =	shalt  }
0x5f: {  	_ =	shalt  }
0x60: {  	_ =	shalt  }
0x61: {  	_ =	shalt  }
0x62: {  	_ =	shalt  }
0x63: {  	_ =	shalt  }
0x64: {  	_ =	shalt  }
0x65: {  	_ =	shalt  }
0x66: {  	_ =	shalt  }
0x67: {  	_ =	shalt  }
0x68: {  	_ =	shalt  }
0x69: {  	_ =	shalt  }
0x6a: {  	_ =	shalt  }
0x6b: {  	_ =	shalt  }
0x6c: {  	_ =	shalt  }
0x6d: {  	_ =	shalt  }
0x6e: {  	_ =	shalt  }
0x6f: {  	_ =	shalt  }
0x70: {  	_ =	shalt  }
0x71: {  	_ =	shalt  }
0x72: {  	_ =	shalt  }
0x73: {  	_ =	shalt  }
0x74: {  	_ =	shalt  }
0x75: {  	_ =	shalt  }
0x76: {  	_ =	shalt  }
0x77: {  	_ =	shalt  }
0x78: {  	_ =	shalt  }
0x79: {  	_ =	shalt  }
0x7a: {  	_ =	shalt  }
0x7b: {  	_ =	shalt  }
0x7c: {  	_ =	shalt  }
0x7d: {  	_ =	shalt  }
0x7e: {  	_ =	shalt  }
0x7f: {  	_ =	shalt  }
0x80: {  	_ =	shalt  }
0x81: {  	_ =	shalt  }
0x82: {  	_ =	shalt  }
0x83: {  	_ =	shalt  }
0x84: {  	_ =	shalt  }
0x85: {  	_ =	shalt  }
0x86: {  	_ =	shalt  }
0x87: {  	_ =	shalt  }
.Lfunc_end0:
.L_simem_size_0:
called_computation_lowered:
.L_overlay_start_0:
0x88: {  	s2 =	sld [smem:$0x3FD9]  }
0x89: {  	s3 =	sld [smem:$0x3FFE];
	_ =	sdelay $0x1  }
0x8a: {  	s1 =	srdreg.scid  }
0x8b: {  	s0 =	sand.u32 $0x1, s1  }
0x8c: {  	s17 =	sshll.u32 s0, $0xA;
	s2 =	sadd.s32 s3, s2  }
0x8d: {  	s2 =	sadd.s32 s2, s17  }
0x8e: {  	[smem:$0x3FB6] =	sst s2  }
0x8f: {  	_ = 	snop  }
0x90: {  	s2 =	sld [smem:$0x3FC9]  }
0x91: {  	s18 =	sld [smem:$0x3FC8]  }
0x92: {  	s4 =	sld [smem:$0x3FC7]  }
0x93: {  	s5 =	sld [smem:$0x3FC6];
	(tm) =	ssettm $0x1  }
0x94: {  	s6 =	sld [smem:$0x3FFB];
	_ =	sdelay $0x3  }
0x95: {  	_ =	strace s6  }
0x96: {  	s6 =	sld [smem:$0x3FFC];
	_ =	sdelay $0x3  }
0x97: {  	_ =	strace s6  }
0x98: {  	s6 =	sld [smem:$0x3FFD];
	_ =	sdelay $0x3  }
0x99: {  	_ =	strace s6  }
0x9a: {  	_ =	strace $0x8FFFFFFF  }
0x9b: {  	s19 =	sld [smem:$0x3FDB];
	_ =	sdelay $0x1  }
0x9c: {  	s7 =	simm.s32 $_scs_section_size  }
0x9d: {  	s8 =	simm.s32 $_size__tile_overlayer_lowered;
	s9 =	simm.s32 $_tile_overlayer_lowered  }
0x9e: {  	s22 =	simm.s32 $0x1BFF;
	s21 =	sshll.u32 s9, $0x1;
	s6 =	sadd.s32 s7, s19  }
0x9f: {  	s10 =	simm.s32 $0x0;
	s20 =	sshll.u32 s8, $0x1;
	s8 =	sadd.s32 s21, s6  }
0xa0: {  	[timem:s10], [sflag:s22] =	dma.local [hbm:s8], s20  }
0xa1: {  	_ =	swait.ge [sflag:s22], s20  }
0xa2: {  	s7 =	ssub.s32 $0x0, s20;
	[sflag:s22] =	ssyncset.done $0x0  }
0xa3: {  	[sflag:s22] =	ssyncadd.s32 s7;
	_ =	sdelay $0x1  }
0xa4: {  	s23 =	simm.s32 $0x1B8B  }
0xa5: {  	_ =	swait.ge [sflag:s23], $0x1  }
0xa6: {  	[sflag:s23] =	ssyncset.done $0x0  }
0xa7: {  	s25 =	simm.s32 $0x1B8E;
	s24 =	sld [smem:$0x3FFE];
	[sflag:s23] =	ssyncadd.s32 $0xFFFFFFFF  }
0xa8: {  	s26 =	simm.s32 $execute0_lowered;
	[smem:$0x3FD2] =	sst s25  }
0xa9: {  	s8 =	sshll.u32 s26, $0x1;
	_ =	strace $0x80000046;
	[dreg:$0x1] =	wrdreg $0xFFFFFFFF  }
0xaa: {  	s28 =	simm.s32 $_size_execute0_lowered;
	s6 =	sadd.s32 s6, s8;
	[dreg:$0x0] =	wrdreg $0x0  }
0xab: {  	s8 =	sshll.u32 s28, $0x1;
	[dreg:$0x2] =	wrdreg s6  }
0xac: {  	[dreg:$0x3] =	wrdreg s8  }
0xad: {  	[dreg:$0x4] =	wrdreg $0xC0  }
0xae: {  	_ =	task [dreg:s10], $0x5FFFF  }
0xaf: {  	[dreg:$0x1] =	wrdreg $0xFFFFFFFF  }
0xb0: {  	[dreg:$0x0] =	wrdreg $0x60  }
0xb1: {  	[dreg:$0x2] =	wrdreg s24  }
0xb2: {  	[dreg:$0x3] =	wrdreg s2  }
0xb3: {  	[dreg:$0x4] =	wrdreg s18  }
0xb4: {  	[dreg:$0x5] =	wrdreg s4  }
0xb5: {  	[dreg:$0x6] =	wrdreg s5  }
0xb6: {  	[dreg:$0x7] =	wrdreg $0x9  }
0xb7: {  	_ =	task.clear_ibuf [dreg:s10], $0x8FFFF;
	_ =	strace $0x90000046  }
0xb8: {  	s29 =	simm.s32 $0x9;
	_ =	strace $0x80000048  }
0xb9: {  	_ =	swait.ge [sflag:s29], $0x1  }
0xba: {  	[sflag:s29] =	ssyncadd.s32 $0xFFFFFFFF  }
0xbb: {  	_ =	strace $0x90000048  }
0xbc: {  	_ =	sfence  }
0xbd: {  	s30 =	sld [smem:$0x0];
	_ =	sdelay $0x2  }
0xbe: {  	s31 =	sshll.u32 s1, $0xD;
	s1 =	sshrl.u32 s1, $0x2  }
0xbf: {  	s3 =	sand.u32 $0x4000, s31;
	s1 =	sadd.s32 s1, s30  }
0xc0: {  	s0 =	sor.u32 s3, s0;
	s1 =	sshll.u32 s1, $0x11  }
0xc1: {  	s0 =	sor.u32 s1, s0  }
0xc2: {  	s0 =	sadd.s32 $0x8F2B, s0  }
0xc3: {  	[sflag:s0] =	ssyncadd.remote.s32 $0x1  }
0xc4: {  	_ =	sfence.sel $0xFFFF  }
0xc5: {  	[dreg:$0x0] =	wrdreg $0xFFFFFFFF;
	(pc) =	sbr.abs _section_cstart, $3  }
0xc6: {  	[dreg:$0x1] =	wrdreg $0xFFFFFFFF  }
0xc7: {  	_ =	task.clear_ibuf [dreg:s10], $0x2FFFF;
	_ =	strace $0x9FFFFFFF  }
0xc8: {  	(tm) =	ssettm $0x7FFFFFFF  }
0xc9: {  	_ =	shalt  }
tec
execute0_lowered:
.L_overlay_start_1:
0x0: {  	(tag) =	ssettag $0x1  }
0x1: {  	s0 =	rddreg [dreg:$0x0]  }
0x2: {  	s7 =	rddreg [dreg:$0x1]  }
0x3: {  	s9 =	rddreg [dreg:$0x2]  }
0x4: {  	s11 =	rddreg [dreg:$0x3]  }
0x5: {  	s13 =	rddreg [dreg:$0x4]  }
0x6: {  	s1 =	simm.s32 $0x0;
	s5 =	srdreg.scid;
	s2 =	stileid.u32  }
0x7: {  	s17 =	simm.s32 $0x1;
	s18 =	simm.s32 $0x200;
	s8 =	sand.u32 $0x1, s5  }
0x8: {  	s19 =	simm.s32 $0x0;
	s10 =	sshll.u32 s2, $0xA;
	s12 =	sshll.u32 s8, $0x9  }
0x9: {  	[smem:$0x7FF] =	sst s1;
	s3 =	sadd.s32 $0x2000, s0;
	s10 =	sor.u32 s12, s10  }
0xa: {  	s4 =	sadd.s32 $0xF44600, s0;
	s5 =	sadd.s32 $0x1E86C00, s0;
	s15 =	sshrl.u32 s10, $0x3  }
0xb: {  	s6 =	sadd.s32 $0x2DC9200, s0;
	_ =	strace $0x80000047;
	s24 =	sadd.s32 s7, s15  }
0xc: {  	s8 =	ssub.s32 $0x2, s8;
	s26 =	sadd.s32 s9, s15;
	[dreg:$0x6] =	wrdreg s24  }
0xd: {  	s12 =	sshll.u32 s10, $0x4;
	s29 =	sadd.s32 s11, s15;
	[dreg:$0x8] =	wrdreg s26  }
0xe: {  	s0 =	sadd.s32 s12, s0;
	s31 =	sadd.s32 s13, s15;
	[dreg:$0xa] =	wrdreg s29  }
0xf: {  	s14 =	sshrl.u32 s8, $0x1;
	s25 =	sadd.s32 $0x3D0B800, s0;
	[dreg:$0xc] =	wrdreg s31  }
0x10: {  	s16 =	ssub.s32 s8, s14;
	s28 =	sadd.s32 $0x3D4B800, s0;
	[dreg:$0x7] =	wrdreg s25  }
0x11: {  	s15 =	smax.u32 s16, $0x1;
	s30 =	sadd.s32 $0x3D8B800, s0;
	[dreg:$0x9] =	wrdreg s28  }
0x12: {  	s16 =	simm.s32 $0x2;
	s14 =	sadd.s32 $0x3DCB800, s0;
	[dreg:$0xb] =	wrdreg s30  }
.LBB2_1:
0x13: {  	s0 =	rddreg [dreg:$0x6]  }
0x14: {  	[tilespmem:s1], [sflag:$0x2] =	stream.linear.gather [hbm4b:s0+s1], $0x200, $0x38;
	[tilespmem:$0x10200] =	vst v63  }
0x15: {  	_ =	swait.ge [sflag:s16], $0x200  }
0x16: {  	[sflag:s16] =	ssyncset.done $0x0  }
0x17: {  	[sflag:s16] =	ssyncadd.s32 $0xFFFFFE00  }
0x18: {  	v0 =	vld [tilespmem:s1+$0x0];
	_ =	sdelay $0x4  }
0x19: {  	v0 =	vshll.u32 v0, $0x4  }
0x1a: {  	(v2sf) =	vpush v0, $0x0  }
0x1b: {  	(v2sf) =	vpush v0, $0x1  }
0x1c: {  	(v2sf) =	vpush v0, $0x2;
	_ =	sdelay $0x1  }
0x1d: {  	(v2sf) =	vpush v0, $0x4;
	_ =	sdelay $0x1  }
0x1e: {  	(v2sf) =	vpush v0, $0x3  }
0x1f: {  	(v2sf) =	vpush v0, $0x5  }
0x20: {  	s21 =	simm.s32 $0x2000;
	s20 =	simm.s32 $0x0;
	s22 =	simm.s32 $0x0;
	(v2sf) =	vpush v0, $0x6  }
.LBB2_2:
0x21: {  	p0 =	sne.s32 s21, $0x3E000  }
0x22: {  	s2 =	sadd.s32 $0x280, s20;
	s26 =	sadd.s32 $0x780, s20;
	s23 =	smov.u32 s21  }
0x23: {  	s21 =	sadd.s32 $0x2000, s21;
	s30 =	sadd.s32 $0x580, s20;
	s24 =	sadd.s32 $0x800, s20;
	(v2sf) =	vpush v0, $0x7  }
0x24: {  	s0 =	sadd.s32 $0x480, s20;
	s29 =	sadd.s32 $0x600, s20;
	s25 =	sadd.s32 $0x880, s20  }
0x25: {  	s7 =	sadd.s32 $0x200, s20;
	s8 =	sadd.s32 $0x400, s20;
	(v2sf) =	vpush v0, $0x8  }
0x26: {  	s9 =	sadd.s32 $0x500, s20;
	s22 =	sadd.s32 $0x10, s22  }
0x27: {  	s10 =	sadd.s32 $0x300, s20;
	s28 =	sadd.s32 $0x700, s20;
	s31 =	spop (v2sf);
	(v2sf) =	vpush v0, $0x9  }
0x28: {  	s11 =	sand.u32 $0x1FFFFFF0, s31;
	s31 =	sadd.s32 $0x680, s20;
	s12 =	spop (v2sf)  }
0x29: {  	s11 =	sadd.s32 s3, s11;
	s12 =	sand.u32 $0x1FFFFFF0, s12;
	s13 =	spop (v2sf);
	(v2sf) =	vpush v0, $0xA  }
0x2a: {  	[tilespmem:s7], [sflag:$0x1] =	stream.linear.gather [hbm4b:s11+s1], $0x80, $0x38;
	[tilespmem:$0x10200] =	vst v63  }
0x2b: {  	s7 =	sadd.s32 s3, s12;
	s11 =	sadd.s32 $0x380, s20;
	s12 =	spop (v2sf);
	(v2sf) =	vpush v0, $0xB  }
0x2c: {  	[tilespmem:s2], [sflag:$0x1] =	stream.linear.gather [hbm4b:s7+s1], $0x80, $0x38;
	[tilespmem:$0x10200] =	vst v63  }
0x2d: {  	s2 =	sand.u32 $0x1FFFFFF0, s13;
	s7 =	sand.u32 $0x1FFFFFF0, s12;
	s12 =	spop (v2sf);
	(v2sf) =	vpush v0, $0xC  }
0x2e: {  	s2 =	sadd.s32 s3, s2;
	s12 =	sand.u32 $0x1FFFFFF0, s12;
	s13 =	spop (v2sf)  }
0x2f: {  	[tilespmem:s10], [sflag:$0x1] =	stream.linear.gather [hbm4b:s2+s1], $0x80, $0x38;
	(v2sf) =	vpush v0, $0xD;
	[tilespmem:$0x10200] =	vst v63  }
0x30: {  	s2 =	sadd.s32 s3, s12;
	s10 =	sand.u32 $0x1FFFFFF0, s13;
	s12 =	spop (v2sf)  }
0x31: {  	[tilespmem:s11], [sflag:$0x1] =	stream.linear.gather [hbm4b:s2+s1], $0x80, $0x38;
	(v2sf) =	vpush v0, $0xE;
	[tilespmem:$0x10200] =	vst v63  }
0x32: {  	s2 =	sadd.s32 s3, s7;
	s7 =	sand.u32 $0x1FFFFFF0, s12;
	s11 =	spop (v2sf)  }
0x33: {  	[tilespmem:s8], [sflag:$0x1] =	stream.linear.gather [hbm4b:s2+s1], $0x80, $0x38;
	(v2sf) =	vpush v0, $0xF;
	[tilespmem:$0x10200] =	vst v63  }
0x34: {  	s2 =	sadd.s32 s3, s10;
	s8 =	sand.u32 $0x1FFFFFF0, s11;
	s10 =	spop (v2sf)  }
0x35: {  	[tilespmem:s0], [sflag:$0x1] =	stream.linear.gather [hbm4b:s2+s1], $0x80, $0x38;
	[tilespmem:$0x10200] =	vst v63  }
0x36: {  	s0 =	sadd.s32 s3, s7;
	s2 =	sand.u32 $0x1FFFFFF0, s10;
	s7 =	spop (v2sf)  }
0x37: {  	[tilespmem:s9], [sflag:$0x1] =	stream.linear.gather [hbm4b:s0+s1], $0x80, $0x38;
	[tilespmem:$0x10200] =	vst v63  }
0x38: {  	s0 =	sadd.s32 s3, s8;
	s7 =	sand.u32 $0x1FFFFFF0, s7;
	s8 =	spop (v2sf)  }
0x39: {  	[tilespmem:s30], [sflag:$0x1] =	stream.linear.gather [hbm4b:s0+s1], $0x80, $0x38;
	[tilespmem:$0x10200] =	vst v63  }
0x3a: {  	s0 =	sadd.s32 s3, s2;
	s2 =	sand.u32 $0x1FFFFFF0, s8;
	s8 =	spop (v2sf)  }
0x3b: {  	[tilespmem:s29], [sflag:$0x1] =	stream.linear.gather [hbm4b:s0+s1], $0x80, $0x38;
	[tilespmem:$0x10200] =	vst v63  }
0x3c: {  	s0 =	sadd.s32 s3, s7;
	s7 =	sand.u32 $0x1FFFFFF0, s8;
	s8 =	spop (v2sf)  }
0x3d: {  	[tilespmem:s31], [sflag:$0x1] =	stream.linear.gather [hbm4b:s0+s1], $0x80, $0x38;
	[tilespmem:$0x10200] =	vst v63  }
0x3e: {  	s0 =	sadd.s32 s3, s2;
	s2 =	sand.u32 $0x1FFFFFF0, s8;
	s8 =	spop (v2sf)  }
0x3f: {  	[tilespmem:s28], [sflag:$0x1] =	stream.linear.gather [hbm4b:s0+s1], $0x80, $0x38;
	[tilespmem:$0x10200] =	vst v63  }
0x40: {  	s0 =	sadd.s32 s3, s7;
	s7 =	sand.u32 $0x1FFFFFF0, s8;
	s8 =	spop (v2sf)  }
0x41: {  	[tilespmem:s26], [sflag:$0x1] =	stream.linear.gather [hbm4b:s0+s1], $0x80, $0x38;
	[tilespmem:$0x10200] =	vst v63  }
0x42: {  	s0 =	sadd.s32 s3, s2;
	s2 =	sand.u32 $0x1FFFFFF0, s8;
	s8 =	spop (v2sf)  }
0x43: {  	[tilespmem:s24], [sflag:$0x1] =	stream.linear.gather [hbm4b:s0+s1], $0x80, $0x38;
	[tilespmem:$0x10200] =	vst v63  }
0x44: {  	s0 =	sadd.s32 s3, s7;
	s7 =	sand.u32 $0x1FFFFFF0, s8  }
0x45: {  	[tilespmem:s25], [sflag:$0x1] =	stream.linear.gather [hbm4b:s0+s1], $0x80, $0x38;
	[tilespmem:$0x10200] =	vst v63  }
0x46: {  	s2 =	sadd.s32 s3, s2;
	s0 =	sadd.s32 $0x900, s20  }
0x47: {  	[tilespmem:s0], [sflag:$0x1] =	stream.linear.gather [hbm4b:s2+s1], $0x80, $0x38;
	[tilespmem:$0x10200] =	vst v63  }
0x48: {  	s0 =	sadd.s32 $0x980, s20;
	s2 =	sadd.s32 s3, s7  }
0x49: {  	[tilespmem:s0], [sflag:$0x1] =	stream.linear.gather [hbm4b:s2+s1], $0x80, $0x38;
	[tilespmem:$0x10200] =	vst v63  }
0x4a: {  	v0 =	vld [tilespmem:s22+$0x0];
	_ =	sdelay $0x4  }
0x4b: {  	v0 =	vshll.u32 v0, $0x4  }
0x4c: {  	(v2sf) =	vpush v0, $0x0  }
0x4d: {  	(v2sf) =	vpush v0, $0x1  }
0x4e: {  	(v2sf) =	vpush v0, $0x2;
	_ =	sdelay $0x1  }
0x4f: {  	(v2sf) =	vpush v0, $0x4  }
.Ltmp0:
0x50: {  	(pc) =	sbr.rel @p0 .LBB2_2-.Ltmp0, $3  }
0x51: {  	(v2sf) =	vpush v0, $0x3  }
0x52: {  	(v2sf) =	vpush v0, $0x5;
	_ =	sdelay $0x1  }
0x53: {  	s20 =	sshra.s32 s23, $0x2;
	(v2sf) =	vpush v0, $0x6  }
0x54: {  	_ =	sdelay $0x1  }
0x55: {  	s0 =	sadd.s32 $0x280, s20;
	s23 =	sadd.s32 $0x780, s20  }
0x56: {  	s2 =	sadd.s32 $0x580, s20;
	s21 =	sadd.s32 $0x800, s20;
	(v2sf) =	vpush v0, $0x7;
	s7 =	sadd.s32 $0x480, s20  }
0x57: {  	s8 =	sadd.s32 $0x600, s20;
	s22 =	sadd.s32 $0x880, s20;
	s9 =	sadd.s32 $0x200, s20  }
0x58: {  	s10 =	sadd.s32 $0x400, s20;
	s11 =	sadd.s32 $0x500, s20;
	(v2sf) =	vpush v0, $0x8;
	s12 =	spop (v2sf)  }
0x59: {  	s13 =	sadd.s32 $0x300, s20;
	s12 =	sand.u32 $0x1FFFFFF0, s12;
	s24 =	spop (v2sf)  }
0x5a: {  	(v2sf) =	vpush v0, $0x9;
	s12 =	sadd.s32 s3, s12;
	s24 =	sand.u32 $0x1FFFFFF0, s24;
	s25 =	spop (v2sf)  }
0x5b: {  	[tilespmem:s9], [sflag:$0x1] =	stream.linear.gather [hbm4b:s12+s1], $0x80, $0x38;
	[tilespmem:$0x10200] =	vst v63  }
0x5c: {  	s26 =	sadd.s32 $0x380, s20;
	(v2sf) =	vpush v0, $0xA;
	s30 =	sadd.s32 s3, s24;
	s31 =	spop (v2sf)  }
0x5d: {  	[tilespmem:s0], [sflag:$0x1] =	stream.linear.gather [hbm4b:s30+s1], $0x80, $0x38;
	[tilespmem:$0x10200] =	vst v63  }
0x5e: {  	s9 =	sadd.s32 $0x700, s20;
	s28 =	sand.u32 $0x1FFFFFF0, s25;
	(v2sf) =	vpush v0, $0xB;
	s29 =	spop (v2sf)  }
0x5f: {  	s12 =	sadd.s32 s3, s28;
	s0 =	sadd.s32 $0x680, s20;
	s25 =	sand.u32 $0x1FFFFFF0, s29  }
0x60: {  	(v2sf) =	vpush v0, $0xC;
	[tilespmem:s13], [sflag:$0x1] =	stream.linear.gather [hbm4b:s12+s1], $0x80, $0x38;
	[tilespmem:$0x10200] =	vst v63  }
0x61: {  	s30 =	sand.u32 $0x1FFFFFF0, s31;
	s31 =	spop (v2sf);
	s28 =	sadd.s32 s3, s25  }
0x62: {  	(v2sf) =	vpush v0, $0xD;
	[tilespmem:s26], [sflag:$0x1] =	stream.linear.gather [hbm4b:s28+s1], $0x80, $0x38;
	[tilespmem:$0x10200] =	vst v63  }
0x63: {  	s12 =	sadd.s32 s3, s30;
	s13 =	sand.u32 $0x1FFFFFF0, s31;
	s29 =	spop (v2sf)  }
0x64: {  	(v2sf) =	vpush v0, $0xE;
	[tilespmem:s10], [sflag:$0x1] =	stream.linear.gather [hbm4b:s12+s1], $0x80, $0x38;
	[tilespmem:$0x10200] =	vst v63  }
0x65: {  	s13 =	sadd.s32 s3, s13;
	s30 =	sand.u32 $0x1FFFFFF0, s29;
	s31 =	spop (v2sf)  }
0x66: {  	(v2sf) =	vpush v0, $0xF;
	[tilespmem:s7], [sflag:$0x1] =	stream.linear.gather [hbm4b:s13+s1], $0x80, $0x38;
	[tilespmem:$0x10200] =	vst v63  }
0x67: {  	s24 =	sand.u32 $0x1FFFFFF0, s31;
	s25 =	spop (v2sf);
	s10 =	sadd.s32 s3, s30  }
0x68: {  	[tilespmem:s11], [sflag:$0x1] =	stream.linear.gather [hbm4b:s10+s1], $0x80, $0x38;
	[tilespmem:$0x10200] =	vst v63  }
0x69: {  	s26 =	sand.u32 $0x1FFFFFF0, s25;
	s7 =	sadd.s32 s3, s24;
	s28 =	spop (v2sf)  }
0x6a: {  	[tilespmem:s2], [sflag:$0x1] =	stream.linear.gather [hbm4b:s7+s1], $0x80, $0x38;
	[tilespmem:$0x10200] =	vst v63  }
0x6b: {  	s10 =	sadd.s32 s3, s26;
	s29 =	sand.u32 $0x1FFFFFF0, s28;
	s30 =	spop (v2sf)  }
0x6c: {  	[tilespmem:s8], [sflag:$0x1] =	stream.linear.gather [hbm4b:s10+s1], $0x80, $0x38;
	[tilespmem:$0x10200] =	vst v63  }
0x6d: {  	s7 =	sand.u32 $0x1FFFFFF0, s30;
	s2 =	sadd.s32 s3, s29;
	s31 =	spop (v2sf)  }
0x6e: {  	[tilespmem:s0], [sflag:$0x1] =	stream.linear.gather [hbm4b:s2+s1], $0x80, $0x38;
	[tilespmem:$0x10200] =	vst v63  }
0x6f: {  	s7 =	sadd.s32 s3, s7;
	s10 =	sand.u32 $0x1FFFFFF0, s31;
	s11 =	spop (v2sf)  }
0x70: {  	[tilespmem:s9], [sflag:$0x1] =	stream.linear.gather [hbm4b:s7+s1], $0x80, $0x38;
	[tilespmem:$0x10200] =	vst v63  }
0x71: {  	s0 =	sadd.s32 s3, s10;
	s2 =	sand.u32 $0x1FFFFFF0, s11;
	s12 =	spop (v2sf)  }
0x72: {  	[tilespmem:s23], [sflag:$0x1] =	stream.linear.gather [hbm4b:s0+s1], $0x80, $0x38;
	[tilespmem:$0x10200] =	vst v63  }
0x73: {  	s13 =	sand.u32 $0x1FFFFFF0, s12;
	s2 =	sadd.s32 s3, s2;
	s23 =	spop (v2sf)  }
0x74: {  	[tilespmem:s21], [sflag:$0x1] =	stream.linear.gather [hbm4b:s2+s1], $0x80, $0x38;
	[tilespmem:$0x10200] =	vst v63  }
0x75: {  	s0 =	sadd.s32 s3, s13;
	s24 =	sand.u32 $0x1FFFFFF0, s23;
	s25 =	spop (v2sf)  }
0x76: {  	[tilespmem:s22], [sflag:$0x1] =	stream.linear.gather [hbm4b:s0+s1], $0x80, $0x38;
	[tilespmem:$0x10200] =	vst v63  }
0x77: {  	s28 =	sadd.s32 $0x900, s20;
	s26 =	sand.u32 $0x1FFFFFF0, s25;
	s2 =	sadd.s32 s3, s24  }
0x78: {  	[tilespmem:s28], [sflag:$0x1] =	stream.linear.gather [hbm4b:s2+s1], $0x80, $0x38;
	[tilespmem:$0x10200] =	vst v63  }
0x79: {  	s29 =	sadd.s32 $0x980, s20;
	s0 =	sadd.s32 s3, s26  }
0x7a: {  	[tilespmem:s29], [sflag:$0x1] =	stream.linear.gather [hbm4b:s0+s1], $0x80, $0x38;
	[tilespmem:$0x10200] =	vst v63  }
0x7b: {  	_ =	swait.ge [sflag:s17], $0x10000  }
0x7c: {  	[sflag:s17] =	ssyncset.done $0x0  }
0x7d: {  	s21 =	simm.s32 $0x0;
	s30 =	rddreg [dreg:$0x7];
	[sflag:s17] =	ssyncadd.s32 $0xFFFF0000  }
0x7e: {  	[hbm4b:s30+s21] =	stream.linear.scatter [tilespmem:s18], [sflag:$0x2], $0x10000, $0x38;
	[tilespmem:$0x10200] =	vst v63  }
0x7f: {  	_ =	swait.ge [sflag:s16], $0x10000  }
0x80: {  	[sflag:s16] =	ssyncset.done $0x0  }
0x81: {  	s31 =	rddreg [dreg:$0x8];
	[sflag:s16] =	ssyncadd.s32 $0xFFFF0000  }
0x82: {  	[tilespmem:s21], [sflag:$0x2] =	stream.linear.gather [hbm4b:s31+s21], $0x200, $0x38;
	[tilespmem:$0x10200] =	vst v63  }
0x83: {  	_ =	swait.ge [sflag:s16], $0x200  }
0x84: {  	[sflag:s16] =	ssyncset.done $0x0  }
0x85: {  	[sflag:s16] =	ssyncadd.s32 $0xFFFFFE00  }
0x86: {  	v0 =	vld [tilespmem:s21+$0x0];
	_ =	sdelay $0x4  }
0x87: {  	v0 =	vshll.u32 v0, $0x4  }
0x88: {  	(v2sf) =	vpush v0, $0x0  }
0x89: {  	(v2sf) =	vpush v0, $0x1  }
0x8a: {  	(v2sf) =	vpush v0, $0x2;
	_ =	sdelay $0x1  }
0x8b: {  	(v2sf) =	vpush v0, $0x4;
	_ =	sdelay $0x1  }
0x8c: {  	(v2sf) =	vpush v0, $0x3  }
0x8d: {  	(v2sf) =	vpush v0, $0x5  }
0x8e: {  	s20 =	simm.s32 $0x0;
	s22 =	simm.s32 $0x2000;
	(v2sf) =	vpush v0, $0x6  }
.LBB2_4:
0x8f: {  	p0 =	sne.s32 s22, $0x3E000  }
0x90: {  	s2 =	sadd.s32 $0x280, s20;
	s26 =	sadd.s32 $0x780, s20;
	s23 =	smov.u32 s22  }
0x91: {  	s22 =	sadd.s32 $0x2000, s22;
	s30 =	sadd.s32 $0x580, s20;
	s24 =	sadd.s32 $0x800, s20;
	(v2sf) =	vpush v0, $0x7  }
0x92: {  	s0 =	sadd.s32 $0x480, s20;
	s29 =	sadd.s32 $0x600, s20;
	s25 =	sadd.s32 $0x880, s20  }
0x93: {  	s7 =	sadd.s32 $0x200, s20;
	s8 =	sadd.s32 $0x400, s20;
	(v2sf) =	vpush v0, $0x8  }
0x94: {  	s9 =	sadd.s32 $0x500, s20;
	s21 =	sadd.s32 $0x10, s21  }
0x95: {  	s10 =	sadd.s32 $0x300, s20;
	s28 =	sadd.s32 $0x700, s20;
	s11 =	spop (v2sf);
	(v2sf) =	vpush v0, $0x9  }
0x96: {  	s31 =	sadd.s32 $0x680, s20;
	s11 =	sand.u32 $0x1FFFFFF0, s11;
	s12 =	spop (v2sf)  }
0x97: {  	s11 =	sadd.s32 s4, s11;
	s12 =	sand.u32 $0x1FFFFFF0, s12;
	s13 =	spop (v2sf);
	(v2sf) =	vpush v0, $0xA  }
0x98: {  	[tilespmem:s7], [sflag:$0x1] =	stream.linear.gather [hbm4b:s11+s1], $0x80, $0x38;
	[tilespmem:$0x10200] =	vst v63  }
0x99: {  	s7 =	sadd.s32 s4, s12;
	s11 =	sadd.s32 $0x380, s20;
	s12 =	spop (v2sf);
	(v2sf) =	vpush v0, $0xB  }
0x9a: {  	[tilespmem:s2], [sflag:$0x1] =	stream.linear.gather [hbm4b:s7+s1], $0x80, $0x38;
	[tilespmem:$0x10200] =	vst v63  }
0x9b: {  	s2 =	sand.u32 $0x1FFFFFF0, s13;
	s7 =	sand.u32 $0x1FFFFFF0, s12;
	s12 =	spop (v2sf);
	(v2sf) =	vpush v0, $0xC  }
0x9c: {  	s2 =	sadd.s32 s4, s2;
	s12 =	sand.u32 $0x1FFFFFF0, s12;
	s13 =	spop (v2sf)  }
0x9d: {  	[tilespmem:s10], [sflag:$0x1] =	stream.linear.gather [hbm4b:s2+s1], $0x80, $0x38;
	(v2sf) =	vpush v0, $0xD;
	[tilespmem:$0x10200] =	vst v63  }
0x9e: {  	s2 =	sadd.s32 s4, s12;
	s10 =	sand.u32 $0x1FFFFFF0, s13;
	s12 =	spop (v2sf)  }
0x9f: {  	[tilespmem:s11], [sflag:$0x1] =	stream.linear.gather [hbm4b:s2+s1], $0x80, $0x38;
	(v2sf) =	vpush v0, $0xE;
	[tilespmem:$0x10200] =	vst v63  }
0xa0: {  	s2 =	sadd.s32 s4, s7;
	s7 =	sand.u32 $0x1FFFFFF0, s12;
	s11 =	spop (v2sf)  }
0xa1: {  	[tilespmem:s8], [sflag:$0x1] =	stream.linear.gather [hbm4b:s2+s1], $0x80, $0x38;
	(v2sf) =	vpush v0, $0xF;
	[tilespmem:$0x10200] =	vst v63  }
0xa2: {  	s2 =	sadd.s32 s4, s10;
	s8 =	sand.u32 $0x1FFFFFF0, s11;
	s10 =	spop (v2sf)  }
0xa3: {  	[tilespmem:s0], [sflag:$0x1] =	stream.linear.gather [hbm4b:s2+s1], $0x80, $0x38;
	[tilespmem:$0x10200] =	vst v63  }
0xa4: {  	s0 =	sadd.s32 s4, s7;
	s2 =	sand.u32 $0x1FFFFFF0, s10;
	s7 =	spop (v2sf)  }
0xa5: {  	[tilespmem:s9], [sflag:$0x1] =	stream.linear.gather [hbm4b:s0+s1], $0x80, $0x38;
	[tilespmem:$0x10200] =	vst v63  }
0xa6: {  	s0 =	sadd.s32 s4, s8;
	s7 =	sand.u32 $0x1FFFFFF0, s7;
	s8 =	spop (v2sf)  }
0xa7: {  	[tilespmem:s30], [sflag:$0x1] =	stream.linear.gather [hbm4b:s0+s1], $0x80, $0x38;
	[tilespmem:$0x10200] =	vst v63  }
0xa8: {  	s0 =	sadd.s32 s4, s2;
	s2 =	sand.u32 $0x1FFFFFF0, s8;
	s8 =	spop (v2sf)  }
0xa9: {  	[tilespmem:s29], [sflag:$0x1] =	stream.linear.gather [hbm4b:s0+s1], $0x80, $0x38;
	[tilespmem:$0x10200] =	vst v63  }
0xaa: {  	s0 =	sadd.s32 s4, s7;
	s7 =	sand.u32 $0x1FFFFFF0, s8;
	s8 =	spop (v2sf)  }
0xab: {  	[tilespmem:s31], [sflag:$0x1] =	stream.linear.gather [hbm4b:s0+s1], $0x80, $0x38;
	[tilespmem:$0x10200] =	vst v63  }
0xac: {  	s0 =	sadd.s32 s4, s2;
	s2 =	sand.u32 $0x1FFFFFF0, s8;
	s8 =	spop (v2sf)  }
0xad: {  	[tilespmem:s28], [sflag:$0x1] =	stream.linear.gather [hbm4b:s0+s1], $0x80, $0x38;
	[tilespmem:$0x10200] =	vst v63  }
0xae: {  	s0 =	sadd.s32 s4, s7;
	s7 =	sand.u32 $0x1FFFFFF0, s8;
	s8 =	spop (v2sf)  }
0xaf: {  	[tilespmem:s26], [sflag:$0x1] =	stream.linear.gather [hbm4b:s0+s1], $0x80, $0x38;
	[tilespmem:$0x10200] =	vst v63  }
0xb0: {  	s0 =	sadd.s32 s4, s2;
	s2 =	sand.u32 $0x1FFFFFF0, s8;
	s8 =	spop (v2sf)  }
0xb1: {  	[tilespmem:s24], [sflag:$0x1] =	stream.linear.gather [hbm4b:s0+s1], $0x80, $0x38;
	[tilespmem:$0x10200] =	vst v63  }
0xb2: {  	s0 =	sadd.s32 s4, s7;
	s7 =	sand.u32 $0x1FFFFFF0, s8  }
0xb3: {  	[tilespmem:s25], [sflag:$0x1] =	stream.linear.gather [hbm4b:s0+s1], $0x80, $0x38;
	[tilespmem:$0x10200] =	vst v63  }
0xb4: {  	s2 =	sadd.s32 s4, s2;
	s0 =	sadd.s32 $0x900, s20  }
0xb5: {  	[tilespmem:s0], [sflag:$0x1] =	stream.linear.gather [hbm4b:s2+s1], $0x80, $0x38;
	[tilespmem:$0x10200] =	vst v63  }
0xb6: {  	s0 =	sadd.s32 $0x980, s20;
	s2 =	sadd.s32 s4, s7  }
0xb7: {  	[tilespmem:s0], [sflag:$0x1] =	stream.linear.gather [hbm4b:s2+s1], $0x80, $0x38;
	[tilespmem:$0x10200] =	vst v63  }
0xb8: {  	v0 =	vld [tilespmem:s21+$0x0];
	_ =	sdelay $0x4  }
0xb9: {  	v0 =	vshll.u32 v0, $0x4  }
0xba: {  	(v2sf) =	vpush v0, $0x0  }
0xbb: {  	(v2sf) =	vpush v0, $0x1  }
0xbc: {  	(v2sf) =	vpush v0, $0x2;
	_ =	sdelay $0x1  }
0xbd: {  	(v2sf) =	vpush v0, $0x4  }
.Ltmp1:
0xbe: {  	(pc) =	sbr.rel @p0 .LBB2_4-.Ltmp1, $3  }
0xbf: {  	(v2sf) =	vpush v0, $0x3  }
0xc0: {  	(v2sf) =	vpush v0, $0x5;
	_ =	sdelay $0x1  }
0xc1: {  	s20 =	sshra.s32 s23, $0x2;
	(v2sf) =	vpush v0, $0x6  }
0xc2: {  	_ =	sdelay $0x1  }
0xc3: {  	s0 =	sadd.s32 $0x280, s20;
	s23 =	sadd.s32 $0x780, s20  }
0xc4: {  	s2 =	sadd.s32 $0x580, s20;
	s21 =	sadd.s32 $0x800, s20;
	(v2sf) =	vpush v0, $0x7;
	s7 =	sadd.s32 $0x480, s20  }
0xc5: {  	s8 =	sadd.s32 $0x600, s20;
	s22 =	sadd.s32 $0x880, s20;
	s9 =	sadd.s32 $0x200, s20  }
0xc6: {  	s10 =	sadd.s32 $0x400, s20;
	s11 =	sadd.s32 $0x500, s20;
	(v2sf) =	vpush v0, $0x8;
	s12 =	spop (v2sf)  }
0xc7: {  	s13 =	sadd.s32 $0x300, s20;
	s12 =	sand.u32 $0x1FFFFFF0, s12;
	s24 =	spop (v2sf)  }
0xc8: {  	(v2sf) =	vpush v0, $0x9;
	s12 =	sadd.s32 s4, s12;
	s24 =	sand.u32 $0x1FFFFFF0, s24;
	s25 =	spop (v2sf)  }
0xc9: {  	[tilespmem:s9], [sflag:$0x1] =	stream.linear.gather [hbm4b:s12+s1], $0x80, $0x38;
	[tilespmem:$0x10200] =	vst v63  }
0xca: {  	s26 =	sadd.s32 $0x380, s20;
	(v2sf) =	vpush v0, $0xA;
	s30 =	sadd.s32 s4, s24;
	s31 =	spop (v2sf)  }
0xcb: {  	[tilespmem:s0], [sflag:$0x1] =	stream.linear.gather [hbm4b:s30+s1], $0x80, $0x38;
	[tilespmem:$0x10200] =	vst v63  }
0xcc: {  	s9 =	sadd.s32 $0x700, s20;
	s28 =	sand.u32 $0x1FFFFFF0, s25;
	(v2sf) =	vpush v0, $0xB;
	s29 =	spop (v2sf)  }
0xcd: {  	s12 =	sadd.s32 s4, s28;
	s0 =	sadd.s32 $0x680, s20;
	s25 =	sand.u32 $0x1FFFFFF0, s29  }
0xce: {  	(v2sf) =	vpush v0, $0xC;
	[tilespmem:s13], [sflag:$0x1] =	stream.linear.gather [hbm4b:s12+s1], $0x80, $0x38;
	[tilespmem:$0x10200] =	vst v63  }
0xcf: {  	s30 =	sand.u32 $0x1FFFFFF0, s31;
	s31 =	spop (v2sf);
	s28 =	sadd.s32 s4, s25  }
0xd0: {  	(v2sf) =	vpush v0, $0xD;
	[tilespmem:s26], [sflag:$0x1] =	stream.linear.gather [hbm4b:s28+s1], $0x80, $0x38;
	[tilespmem:$0x10200] =	vst v63  }
0xd1: {  	s12 =	sadd.s32 s4, s30;
	s13 =	sand.u32 $0x1FFFFFF0, s31;
	s29 =	spop (v2sf)  }
0xd2: {  	(v2sf) =	vpush v0, $0xE;
	[tilespmem:s10], [sflag:$0x1] =	stream.linear.gather [hbm4b:s12+s1], $0x80, $0x38;
	[tilespmem:$0x10200] =	vst v63  }
0xd3: {  	s13 =	sadd.s32 s4, s13;
	s30 =	sand.u32 $0x1FFFFFF0, s29;
	s31 =	spop (v2sf)  }
0xd4: {  	(v2sf) =	vpush v0, $0xF;
	[tilespmem:s7], [sflag:$0x1] =	stream.linear.gather [hbm4b:s13+s1], $0x80, $0x38;
	[tilespmem:$0x10200] =	vst v63  }
0xd5: {  	s24 =	sand.u32 $0x1FFFFFF0, s31;
	s25 =	spop (v2sf);
	s10 =	sadd.s32 s4, s30  }
0xd6: {  	[tilespmem:s11], [sflag:$0x1] =	stream.linear.gather [hbm4b:s10+s1], $0x80, $0x38;
	[tilespmem:$0x10200] =	vst v63  }
0xd7: {  	s26 =	sand.u32 $0x1FFFFFF0, s25;
	s7 =	sadd.s32 s4, s24;
	s28 =	spop (v2sf)  }
0xd8: {  	[tilespmem:s2], [sflag:$0x1] =	stream.linear.gather [hbm4b:s7+s1], $0x80, $0x38;
	[tilespmem:$0x10200] =	vst v63  }
0xd9: {  	s10 =	sadd.s32 s4, s26;
	s29 =	sand.u32 $0x1FFFFFF0, s28;
	s30 =	spop (v2sf)  }
0xda: {  	[tilespmem:s8], [sflag:$0x1] =	stream.linear.gather [hbm4b:s10+s1], $0x80, $0x38;
	[tilespmem:$0x10200] =	vst v63  }
0xdb: {  	s7 =	sand.u32 $0x1FFFFFF0, s30;
	s2 =	sadd.s32 s4, s29;
	s31 =	spop (v2sf)  }
0xdc: {  	[tilespmem:s0], [sflag:$0x1] =	stream.linear.gather [hbm4b:s2+s1], $0x80, $0x38;
	[tilespmem:$0x10200] =	vst v63  }
0xdd: {  	s7 =	sadd.s32 s4, s7;
	s10 =	sand.u32 $0x1FFFFFF0, s31;
	s11 =	spop (v2sf)  }
0xde: {  	[tilespmem:s9], [sflag:$0x1] =	stream.linear.gather [hbm4b:s7+s1], $0x80, $0x38;
	[tilespmem:$0x10200] =	vst v63  }
0xdf: {  	s0 =	sadd.s32 s4, s10;
	s2 =	sand.u32 $0x1FFFFFF0, s11;
	s12 =	spop (v2sf)  }
0xe0: {  	[tilespmem:s23], [sflag:$0x1] =	stream.linear.gather [hbm4b:s0+s1], $0x80, $0x38;
	[tilespmem:$0x10200] =	vst v63  }
0xe1: {  	s13 =	sand.u32 $0x1FFFFFF0, s12;
	s2 =	sadd.s32 s4, s2;
	s23 =	spop (v2sf)  }
0xe2: {  	[tilespmem:s21], [sflag:$0x1] =	stream.linear.gather [hbm4b:s2+s1], $0x80, $0x38;
	[tilespmem:$0x10200] =	vst v63  }
0xe3: {  	s0 =	sadd.s32 s4, s13;
	s24 =	sand.u32 $0x1FFFFFF0, s23;
	s25 =	spop (v2sf)  }
0xe4: {  	[tilespmem:s22], [sflag:$0x1] =	stream.linear.gather [hbm4b:s0+s1], $0x80, $0x38;
	[tilespmem:$0x10200] =	vst v63  }
0xe5: {  	s28 =	sadd.s32 $0x900, s20;
	s26 =	sand.u32 $0x1FFFFFF0, s25;
	s2 =	sadd.s32 s4, s24  }
0xe6: {  	[tilespmem:s28], [sflag:$0x1] =	stream.linear.gather [hbm4b:s2+s1], $0x80, $0x38;
	[tilespmem:$0x10200] =	vst v63  }
0xe7: {  	s29 =	sadd.s32 $0x980, s20;
	s0 =	sadd.s32 s4, s26  }
0xe8: {  	[tilespmem:s29], [sflag:$0x1] =	stream.linear.gather [hbm4b:s0+s1], $0x80, $0x38;
	[tilespmem:$0x10200] =	vst v63  }
0xe9: {  	_ =	swait.ge [sflag:s17], $0x10000  }
0xea: {  	[sflag:s17] =	ssyncset.done $0x0  }
0xeb: {  	s21 =	simm.s32 $0x0;
	s30 =	rddreg [dreg:$0x9];
	[sflag:s17] =	ssyncadd.s32 $0xFFFF0000  }
0xec: {  	[hbm4b:s30+s21] =	stream.linear.scatter [tilespmem:s18], [sflag:$0x2], $0x10000, $0x38;
	[tilespmem:$0x10200] =	vst v63  }
0xed: {  	_ =	swait.ge [sflag:s16], $0x10000  }
0xee: {  	[sflag:s16] =	ssyncset.done $0x0  }
0xef: {  	s31 =	rddreg [dreg:$0xa];
	[sflag:s16] =	ssyncadd.s32 $0xFFFF0000  }
0xf0: {  	[tilespmem:s21], [sflag:$0x2] =	stream.linear.gather [hbm4b:s31+s21], $0x200, $0x38;
	[tilespmem:$0x10200] =	vst v63  }
0xf1: {  	_ =	swait.ge [sflag:s16], $0x200  }
0xf2: {  	[sflag:s16] =	ssyncset.done $0x0  }
0xf3: {  	[sflag:s16] =	ssyncadd.s32 $0xFFFFFE00  }
0xf4: {  	v0 =	vld [tilespmem:s21+$0x0];
	_ =	sdelay $0x4  }
0xf5: {  	v0 =	vshll.u32 v0, $0x4  }
0xf6: {  	(v2sf) =	vpush v0, $0x0  }
0xf7: {  	(v2sf) =	vpush v0, $0x1  }
0xf8: {  	(v2sf) =	vpush v0, $0x2;
	_ =	sdelay $0x1  }
0xf9: {  	(v2sf) =	vpush v0, $0x4;
	_ =	sdelay $0x1  }
0xfa: {  	(v2sf) =	vpush v0, $0x3  }
0xfb: {  	(v2sf) =	vpush v0, $0x5  }
0xfc: {  	s20 =	simm.s32 $0x0;
	s22 =	simm.s32 $0x2000;
	(v2sf) =	vpush v0, $0x6  }
.LBB2_6:
0xfd: {  	p0 =	sne.s32 s22, $0x3E000  }
0xfe: {  	s2 =	sadd.s32 $0x280, s20;
	s26 =	sadd.s32 $0x780, s20;
	s23 =	smov.u32 s22  }
0xff: {  	s22 =	sadd.s32 $0x2000, s22;
	s30 =	sadd.s32 $0x580, s20;
	s24 =	sadd.s32 $0x800, s20;
	(v2sf) =	vpush v0, $0x7  }
0x100: {  	s0 =	sadd.s32 $0x480, s20;
	s29 =	sadd.s32 $0x600, s20;
	s25 =	sadd.s32 $0x880, s20  }
0x101: {  	s7 =	sadd.s32 $0x200, s20;
	s8 =	sadd.s32 $0x400, s20;
	(v2sf) =	vpush v0, $0x8  }
0x102: {  	s9 =	sadd.s32 $0x500, s20;
	s21 =	sadd.s32 $0x10, s21  }
0x103: {  	s10 =	sadd.s32 $0x300, s20;
	s28 =	sadd.s32 $0x700, s20;
	s11 =	spop (v2sf);
	(v2sf) =	vpush v0, $0x9  }
0x104: {  	s31 =	sadd.s32 $0x680, s20;
	s11 =	sand.u32 $0x1FFFFFF0, s11;
	s12 =	spop (v2sf)  }
0x105: {  	s11 =	sadd.s32 s5, s11;
	s12 =	sand.u32 $0x1FFFFFF0, s12;
	s13 =	spop (v2sf);
	(v2sf) =	vpush v0, $0xA  }
0x106: {  	[tilespmem:s7], [sflag:$0x1] =	stream.linear.gather [hbm4b:s11+s1], $0x80, $0x38;
	[tilespmem:$0x10200] =	vst v63  }
0x107: {  	s7 =	sadd.s32 s5, s12;
	s11 =	sadd.s32 $0x380, s20;
	s12 =	spop (v2sf);
	(v2sf) =	vpush v0, $0xB  }
0x108: {  	[tilespmem:s2], [sflag:$0x1] =	stream.linear.gather [hbm4b:s7+s1], $0x80, $0x38;
	[tilespmem:$0x10200] =	vst v63  }
0x109: {  	s2 =	sand.u32 $0x1FFFFFF0, s13;
	s7 =	sand.u32 $0x1FFFFFF0, s12;
	s12 =	spop (v2sf);
	(v2sf) =	vpush v0, $0xC  }
0x10a: {  	s2 =	sadd.s32 s5, s2;
	s12 =	sand.u32 $0x1FFFFFF0, s12;
	s13 =	spop (v2sf)  }
0x10b: {  	[tilespmem:s10], [sflag:$0x1] =	stream.linear.gather [hbm4b:s2+s1], $0x80, $0x38;
	(v2sf) =	vpush v0, $0xD;
	[tilespmem:$0x10200] =	vst v63  }
0x10c: {  	s2 =	sadd.s32 s5, s12;
	s10 =	sand.u32 $0x1FFFFFF0, s13;
	s12 =	spop (v2sf)  }
0x10d: {  	[tilespmem:s11], [sflag:$0x1] =	stream.linear.gather [hbm4b:s2+s1], $0x80, $0x38;
	(v2sf) =	vpush v0, $0xE;
	[tilespmem:$0x10200] =	vst v63  }
0x10e: {  	s2 =	sadd.s32 s5, s7;
	s7 =	sand.u32 $0x1FFFFFF0, s12;
	s11 =	spop (v2sf)  }
0x10f: {  	[tilespmem:s8], [sflag:$0x1] =	stream.linear.gather [hbm4b:s2+s1], $0x80, $0x38;
	(v2sf) =	vpush v0, $0xF;
	[tilespmem:$0x10200] =	vst v63  }
0x110: {  	s2 =	sadd.s32 s5, s10;
	s8 =	sand.u32 $0x1FFFFFF0, s11;
	s10 =	spop (v2sf)  }
0x111: {  	[tilespmem:s0], [sflag:$0x1] =	stream.linear.gather [hbm4b:s2+s1], $0x80, $0x38;
	[tilespmem:$0x10200] =	vst v63  }
0x112: {  	s0 =	sadd.s32 s5, s7;
	s2 =	sand.u32 $0x1FFFFFF0, s10;
	s7 =	spop (v2sf)  }
0x113: {  	[tilespmem:s9], [sflag:$0x1] =	stream.linear.gather [hbm4b:s0+s1], $0x80, $0x38;
	[tilespmem:$0x10200] =	vst v63  }
0x114: {  	s0 =	sadd.s32 s5, s8;
	s7 =	sand.u32 $0x1FFFFFF0, s7;
	s8 =	spop (v2sf)  }
0x115: {  	[tilespmem:s30], [sflag:$0x1] =	stream.linear.gather [hbm4b:s0+s1], $0x80, $0x38;
	[tilespmem:$0x10200] =	vst v63  }
0x116: {  	s0 =	sadd.s32 s5, s2;
	s2 =	sand.u32 $0x1FFFFFF0, s8;
	s8 =	spop (v2sf)  }
0x117: {  	[tilespmem:s29], [sflag:$0x1] =	stream.linear.gather [hbm4b:s0+s1], $0x80, $0x38;
	[tilespmem:$0x10200] =	vst v63  }
0x118: {  	s0 =	sadd.s32 s5, s7;
	s7 =	sand.u32 $0x1FFFFFF0, s8;
	s8 =	spop (v2sf)  }
0x119: {  	[tilespmem:s31], [sflag:$0x1] =	stream.linear.gather [hbm4b:s0+s1], $0x80, $0x38;
	[tilespmem:$0x10200] =	vst v63  }
0x11a: {  	s0 =	sadd.s32 s5, s2;
	s2 =	sand.u32 $0x1FFFFFF0, s8;
	s8 =	spop (v2sf)  }
0x11b: {  	[tilespmem:s28], [sflag:$0x1] =	stream.linear.gather [hbm4b:s0+s1], $0x80, $0x38;
	[tilespmem:$0x10200] =	vst v63  }
0x11c: {  	s0 =	sadd.s32 s5, s7;
	s7 =	sand.u32 $0x1FFFFFF0, s8;
	s8 =	spop (v2sf)  }
0x11d: {  	[tilespmem:s26], [sflag:$0x1] =	stream.linear.gather [hbm4b:s0+s1], $0x80, $0x38;
	[tilespmem:$0x10200] =	vst v63  }
0x11e: {  	s0 =	sadd.s32 s5, s2;
	s2 =	sand.u32 $0x1FFFFFF0, s8;
	s8 =	spop (v2sf)  }
0x11f: {  	[tilespmem:s24], [sflag:$0x1] =	stream.linear.gather [hbm4b:s0+s1], $0x80, $0x38;
	[tilespmem:$0x10200] =	vst v63  }
0x120: {  	s0 =	sadd.s32 s5, s7;
	s7 =	sand.u32 $0x1FFFFFF0, s8  }
0x121: {  	[tilespmem:s25], [sflag:$0x1] =	stream.linear.gather [hbm4b:s0+s1], $0x80, $0x38;
	[tilespmem:$0x10200] =	vst v63  }
0x122: {  	s2 =	sadd.s32 s5, s2;
	s0 =	sadd.s32 $0x900, s20  }
0x123: {  	[tilespmem:s0], [sflag:$0x1] =	stream.linear.gather [hbm4b:s2+s1], $0x80, $0x38;
	[tilespmem:$0x10200] =	vst v63  }
0x124: {  	s0 =	sadd.s32 $0x980, s20;
	s2 =	sadd.s32 s5, s7  }
0x125: {  	[tilespmem:s0], [sflag:$0x1] =	stream.linear.gather [hbm4b:s2+s1], $0x80, $0x38;
	[tilespmem:$0x10200] =	vst v63  }
0x126: {  	v0 =	vld [tilespmem:s21+$0x0];
	_ =	sdelay $0x4  }
0x127: {  	v0 =	vshll.u32 v0, $0x4  }
0x128: {  	(v2sf) =	vpush v0, $0x0  }
0x129: {  	(v2sf) =	vpush v0, $0x1  }
0x12a: {  	(v2sf) =	vpush v0, $0x2;
	_ =	sdelay $0x1  }
0x12b: {  	(v2sf) =	vpush v0, $0x4  }
.Ltmp2:
0x12c: {  	(pc) =	sbr.rel @p0 .LBB2_6-.Ltmp2, $3  }
0x12d: {  	(v2sf) =	vpush v0, $0x3  }
0x12e: {  	(v2sf) =	vpush v0, $0x5;
	_ =	sdelay $0x1  }
0x12f: {  	s20 =	sshra.s32 s23, $0x2;
	(v2sf) =	vpush v0, $0x6  }
0x130: {  	_ =	sdelay $0x1  }
0x131: {  	s0 =	sadd.s32 $0x280, s20;
	s23 =	sadd.s32 $0x780, s20  }
0x132: {  	s2 =	sadd.s32 $0x580, s20;
	s21 =	sadd.s32 $0x800, s20;
	(v2sf) =	vpush v0, $0x7;
	s7 =	sadd.s32 $0x480, s20  }
0x133: {  	s8 =	sadd.s32 $0x600, s20;
	s22 =	sadd.s32 $0x880, s20;
	s9 =	sadd.s32 $0x200, s20  }
0x134: {  	s10 =	sadd.s32 $0x400, s20;
	s11 =	sadd.s32 $0x500, s20;
	(v2sf) =	vpush v0, $0x8;
	s12 =	spop (v2sf)  }
0x135: {  	s13 =	sadd.s32 $0x300, s20;
	s12 =	sand.u32 $0x1FFFFFF0, s12;
	s24 =	spop (v2sf)  }
0x136: {  	(v2sf) =	vpush v0, $0x9;
	s12 =	sadd.s32 s5, s12;
	s24 =	sand.u32 $0x1FFFFFF0, s24;
	s25 =	spop (v2sf)  }
0x137: {  	[tilespmem:s9], [sflag:$0x1] =	stream.linear.gather [hbm4b:s12+s1], $0x80, $0x38;
	[tilespmem:$0x10200] =	vst v63  }
0x138: {  	s26 =	sadd.s32 $0x380, s20;
	(v2sf) =	vpush v0, $0xA;
	s30 =	sadd.s32 s5, s24;
	s31 =	spop (v2sf)  }
0x139: {  	[tilespmem:s0], [sflag:$0x1] =	stream.linear.gather [hbm4b:s30+s1], $0x80, $0x38;
	[tilespmem:$0x10200] =	vst v63  }
0x13a: {  	s9 =	sadd.s32 $0x700, s20;
	s28 =	sand.u32 $0x1FFFFFF0, s25;
	(v2sf) =	vpush v0, $0xB;
	s29 =	spop (v2sf)  }
0x13b: {  	s12 =	sadd.s32 s5, s28;
	s0 =	sadd.s32 $0x680, s20;
	s25 =	sand.u32 $0x1FFFFFF0, s29  }
0x13c: {  	(v2sf) =	vpush v0, $0xC;
	[tilespmem:s13], [sflag:$0x1] =	stream.linear.gather [hbm4b:s12+s1], $0x80, $0x38;
	[tilespmem:$0x10200] =	vst v63  }
0x13d: {  	s30 =	sand.u32 $0x1FFFFFF0, s31;
	s31 =	spop (v2sf);
	s28 =	sadd.s32 s5, s25  }
0x13e: {  	(v2sf) =	vpush v0, $0xD;
	[tilespmem:s26], [sflag:$0x1] =	stream.linear.gather [hbm4b:s28+s1], $0x80, $0x38;
	[tilespmem:$0x10200] =	vst v63  }
0x13f: {  	s12 =	sadd.s32 s5, s30;
	s13 =	sand.u32 $0x1FFFFFF0, s31;
	s29 =	spop (v2sf)  }
0x140: {  	(v2sf) =	vpush v0, $0xE;
	[tilespmem:s10], [sflag:$0x1] =	stream.linear.gather [hbm4b:s12+s1], $0x80, $0x38;
	[tilespmem:$0x10200] =	vst v63  }
0x141: {  	s13 =	sadd.s32 s5, s13;
	s30 =	sand.u32 $0x1FFFFFF0, s29;
	s31 =	spop (v2sf)  }
0x142: {  	(v2sf) =	vpush v0, $0xF;
	[tilespmem:s7], [sflag:$0x1] =	stream.linear.gather [hbm4b:s13+s1], $0x80, $0x38;
	[tilespmem:$0x10200] =	vst v63  }
0x143: {  	s24 =	sand.u32 $0x1FFFFFF0, s31;
	s25 =	spop (v2sf);
	s10 =	sadd.s32 s5, s30  }
0x144: {  	[tilespmem:s11], [sflag:$0x1] =	stream.linear.gather [hbm4b:s10+s1], $0x80, $0x38;
	[tilespmem:$0x10200] =	vst v63  }
0x145: {  	s26 =	sand.u32 $0x1FFFFFF0, s25;
	s7 =	sadd.s32 s5, s24;
	s28 =	spop (v2sf)  }
0x146: {  	[tilespmem:s2], [sflag:$0x1] =	stream.linear.gather [hbm4b:s7+s1], $0x80, $0x38;
	[tilespmem:$0x10200] =	vst v63  }
0x147: {  	s10 =	sadd.s32 s5, s26;
	s29 =	sand.u32 $0x1FFFFFF0, s28;
	s30 =	spop (v2sf)  }
0x148: {  	[tilespmem:s8], [sflag:$0x1] =	stream.linear.gather [hbm4b:s10+s1], $0x80, $0x38;
	[tilespmem:$0x10200] =	vst v63  }
0x149: {  	s7 =	sand.u32 $0x1FFFFFF0, s30;
	s2 =	sadd.s32 s5, s29;
	s31 =	spop (v2sf)  }
0x14a: {  	[tilespmem:s0], [sflag:$0x1] =	stream.linear.gather [hbm4b:s2+s1], $0x80, $0x38;
	[tilespmem:$0x10200] =	vst v63  }
0x14b: {  	s7 =	sadd.s32 s5, s7;
	s10 =	sand.u32 $0x1FFFFFF0, s31;
	s11 =	spop (v2sf)  }
0x14c: {  	[tilespmem:s9], [sflag:$0x1] =	stream.linear.gather [hbm4b:s7+s1], $0x80, $0x38;
	[tilespmem:$0x10200] =	vst v63  }
0x14d: {  	s0 =	sadd.s32 s5, s10;
	s2 =	sand.u32 $0x1FFFFFF0, s11;
	s12 =	spop (v2sf)  }
0x14e: {  	[tilespmem:s23], [sflag:$0x1] =	stream.linear.gather [hbm4b:s0+s1], $0x80, $0x38;
	[tilespmem:$0x10200] =	vst v63  }
0x14f: {  	s13 =	sand.u32 $0x1FFFFFF0, s12;
	s2 =	sadd.s32 s5, s2;
	s23 =	spop (v2sf)  }
0x150: {  	[tilespmem:s21], [sflag:$0x1] =	stream.linear.gather [hbm4b:s2+s1], $0x80, $0x38;
	[tilespmem:$0x10200] =	vst v63  }
0x151: {  	s0 =	sadd.s32 s5, s13;
	s24 =	sand.u32 $0x1FFFFFF0, s23;
	s25 =	spop (v2sf)  }
0x152: {  	[tilespmem:s22], [sflag:$0x1] =	stream.linear.gather [hbm4b:s0+s1], $0x80, $0x38;
	[tilespmem:$0x10200] =	vst v63  }
0x153: {  	s28 =	sadd.s32 $0x900, s20;
	s26 =	sand.u32 $0x1FFFFFF0, s25;
	s2 =	sadd.s32 s5, s24  }
0x154: {  	[tilespmem:s28], [sflag:$0x1] =	stream.linear.gather [hbm4b:s2+s1], $0x80, $0x38;
	[tilespmem:$0x10200] =	vst v63  }
0x155: {  	s29 =	sadd.s32 $0x980, s20;
	s0 =	sadd.s32 s5, s26  }
0x156: {  	[tilespmem:s29], [sflag:$0x1] =	stream.linear.gather [hbm4b:s0+s1], $0x80, $0x38;
	[tilespmem:$0x10200] =	vst v63  }
0x157: {  	_ =	swait.ge [sflag:s17], $0x10000  }
0x158: {  	[sflag:s17] =	ssyncset.done $0x0  }
0x159: {  	s21 =	simm.s32 $0x0;
	s30 =	rddreg [dreg:$0xb];
	[sflag:s17] =	ssyncadd.s32 $0xFFFF0000  }
0x15a: {  	[hbm4b:s30+s21] =	stream.linear.scatter [tilespmem:s18], [sflag:$0x2], $0x10000, $0x38;
	[tilespmem:$0x10200] =	vst v63  }
0x15b: {  	_ =	swait.ge [sflag:s16], $0x10000  }
0x15c: {  	[sflag:s16] =	ssyncset.done $0x0  }
0x15d: {  	s31 =	rddreg [dreg:$0xc];
	[sflag:s16] =	ssyncadd.s32 $0xFFFF0000  }
0x15e: {  	[tilespmem:s21], [sflag:$0x2] =	stream.linear.gather [hbm4b:s31+s21], $0x200, $0x38;
	[tilespmem:$0x10200] =	vst v63  }
0x15f: {  	_ =	swait.ge [sflag:s16], $0x200  }
0x160: {  	[sflag:s16] =	ssyncset.done $0x0  }
0x161: {  	[sflag:s16] =	ssyncadd.s32 $0xFFFFFE00  }
0x162: {  	v0 =	vld [tilespmem:s21+$0x0];
	_ =	sdelay $0x4  }
0x163: {  	v0 =	vshll.u32 v0, $0x4  }
0x164: {  	(v2sf) =	vpush v0, $0x0  }
0x165: {  	(v2sf) =	vpush v0, $0x1  }
0x166: {  	(v2sf) =	vpush v0, $0x2;
	_ =	sdelay $0x1  }
0x167: {  	(v2sf) =	vpush v0, $0x4;
	_ =	sdelay $0x1  }
0x168: {  	(v2sf) =	vpush v0, $0x3  }
0x169: {  	(v2sf) =	vpush v0, $0x5  }
0x16a: {  	s20 =	simm.s32 $0x0;
	s22 =	simm.s32 $0x2000;
	(v2sf) =	vpush v0, $0x6  }
.LBB2_8:
0x16b: {  	p0 =	sne.s32 s22, $0x3E000  }
0x16c: {  	s2 =	sadd.s32 $0x280, s20;
	s26 =	sadd.s32 $0x780, s20;
	s23 =	smov.u32 s22  }
0x16d: {  	s22 =	sadd.s32 $0x2000, s22;
	s30 =	sadd.s32 $0x580, s20;
	s24 =	sadd.s32 $0x800, s20;
	(v2sf) =	vpush v0, $0x7  }
0x16e: {  	s0 =	sadd.s32 $0x480, s20;
	s29 =	sadd.s32 $0x600, s20;
	s25 =	sadd.s32 $0x880, s20  }
0x16f: {  	s7 =	sadd.s32 $0x200, s20;
	s8 =	sadd.s32 $0x400, s20;
	(v2sf) =	vpush v0, $0x8  }
0x170: {  	s9 =	sadd.s32 $0x500, s20;
	s21 =	sadd.s32 $0x10, s21  }
0x171: {  	s10 =	sadd.s32 $0x300, s20;
	s28 =	sadd.s32 $0x700, s20;
	s11 =	spop (v2sf);
	(v2sf) =	vpush v0, $0x9  }
0x172: {  	s31 =	sadd.s32 $0x680, s20;
	s11 =	sand.u32 $0x1FFFFFF0, s11;
	s12 =	spop (v2sf)  }
0x173: {  	s11 =	sadd.s32 s6, s11;
	s12 =	sand.u32 $0x1FFFFFF0, s12;
	s13 =	spop (v2sf);
	(v2sf) =	vpush v0, $0xA  }
0x174: {  	[tilespmem:s7], [sflag:$0x1] =	stream.linear.gather [hbm4b:s11+s1], $0x80, $0x38;
	[tilespmem:$0x10200] =	vst v63  }
0x175: {  	s7 =	sadd.s32 s6, s12;
	s11 =	sadd.s32 $0x380, s20;
	s12 =	spop (v2sf);
	(v2sf) =	vpush v0, $0xB  }
0x176: {  	[tilespmem:s2], [sflag:$0x1] =	stream.linear.gather [hbm4b:s7+s1], $0x80, $0x38;
	[tilespmem:$0x10200] =	vst v63  }
0x177: {  	s2 =	sand.u32 $0x1FFFFFF0, s13;
	s7 =	sand.u32 $0x1FFFFFF0, s12;
	s12 =	spop (v2sf);
	(v2sf) =	vpush v0, $0xC  }
0x178: {  	s2 =	sadd.s32 s6, s2;
	s12 =	sand.u32 $0x1FFFFFF0, s12;
	s13 =	spop (v2sf)  }
0x179: {  	[tilespmem:s10], [sflag:$0x1] =	stream.linear.gather [hbm4b:s2+s1], $0x80, $0x38;
	(v2sf) =	vpush v0, $0xD;
	[tilespmem:$0x10200] =	vst v63  }
0x17a: {  	s2 =	sadd.s32 s6, s12;
	s10 =	sand.u32 $0x1FFFFFF0, s13;
	s12 =	spop (v2sf)  }
0x17b: {  	[tilespmem:s11], [sflag:$0x1] =	stream.linear.gather [hbm4b:s2+s1], $0x80, $0x38;
	(v2sf) =	vpush v0, $0xE;
	[tilespmem:$0x10200] =	vst v63  }
0x17c: {  	s2 =	sadd.s32 s6, s7;
	s7 =	sand.u32 $0x1FFFFFF0, s12;
	s11 =	spop (v2sf)  }
0x17d: {  	[tilespmem:s8], [sflag:$0x1] =	stream.linear.gather [hbm4b:s2+s1], $0x80, $0x38;
	(v2sf) =	vpush v0, $0xF;
	[tilespmem:$0x10200] =	vst v63  }
0x17e: {  	s2 =	sadd.s32 s6, s10;
	s8 =	sand.u32 $0x1FFFFFF0, s11;
	s10 =	spop (v2sf)  }
0x17f: {  	[tilespmem:s0], [sflag:$0x1] =	stream.linear.gather [hbm4b:s2+s1], $0x80, $0x38;
	[tilespmem:$0x10200] =	vst v63  }
0x180: {  	s0 =	sadd.s32 s6, s7;
	s2 =	sand.u32 $0x1FFFFFF0, s10;
	s7 =	spop (v2sf)  }
0x181: {  	[tilespmem:s9], [sflag:$0x1] =	stream.linear.gather [hbm4b:s0+s1], $0x80, $0x38;
	[tilespmem:$0x10200] =	vst v63  }
0x182: {  	s0 =	sadd.s32 s6, s8;
	s7 =	sand.u32 $0x1FFFFFF0, s7;
	s8 =	spop (v2sf)  }
0x183: {  	[tilespmem:s30], [sflag:$0x1] =	stream.linear.gather [hbm4b:s0+s1], $0x80, $0x38;
	[tilespmem:$0x10200] =	vst v63  }
0x184: {  	s0 =	sadd.s32 s6, s2;
	s2 =	sand.u32 $0x1FFFFFF0, s8;
	s8 =	spop (v2sf)  }
0x185: {  	[tilespmem:s29], [sflag:$0x1] =	stream.linear.gather [hbm4b:s0+s1], $0x80, $0x38;
	[tilespmem:$0x10200] =	vst v63  }
0x186: {  	s0 =	sadd.s32 s6, s7;
	s7 =	sand.u32 $0x1FFFFFF0, s8;
	s8 =	spop (v2sf)  }
0x187: {  	[tilespmem:s31], [sflag:$0x1] =	stream.linear.gather [hbm4b:s0+s1], $0x80, $0x38;
	[tilespmem:$0x10200] =	vst v63  }
0x188: {  	s0 =	sadd.s32 s6, s2;
	s2 =	sand.u32 $0x1FFFFFF0, s8;
	s8 =	spop (v2sf)  }
0x189: {  	[tilespmem:s28], [sflag:$0x1] =	stream.linear.gather [hbm4b:s0+s1], $0x80, $0x38;
	[tilespmem:$0x10200] =	vst v63  }
0x18a: {  	s0 =	sadd.s32 s6, s7;
	s7 =	sand.u32 $0x1FFFFFF0, s8;
	s8 =	spop (v2sf)  }
0x18b: {  	[tilespmem:s26], [sflag:$0x1] =	stream.linear.gather [hbm4b:s0+s1], $0x80, $0x38;
	[tilespmem:$0x10200] =	vst v63  }
0x18c: {  	s0 =	sadd.s32 s6, s2;
	s2 =	sand.u32 $0x1FFFFFF0, s8;
	s8 =	spop (v2sf)  }
0x18d: {  	[tilespmem:s24], [sflag:$0x1] =	stream.linear.gather [hbm4b:s0+s1], $0x80, $0x38;
	[tilespmem:$0x10200] =	vst v63  }
0x18e: {  	s0 =	sadd.s32 s6, s7;
	s7 =	sand.u32 $0x1FFFFFF0, s8  }
0x18f: {  	[tilespmem:s25], [sflag:$0x1] =	stream.linear.gather [hbm4b:s0+s1], $0x80, $0x38;
	[tilespmem:$0x10200] =	vst v63  }
0x190: {  	s2 =	sadd.s32 s6, s2;
	s0 =	sadd.s32 $0x900, s20  }
0x191: {  	[tilespmem:s0], [sflag:$0x1] =	stream.linear.gather [hbm4b:s2+s1], $0x80, $0x38;
	[tilespmem:$0x10200] =	vst v63  }
0x192: {  	s0 =	sadd.s32 $0x980, s20;
	s2 =	sadd.s32 s6, s7  }
0x193: {  	[tilespmem:s0], [sflag:$0x1] =	stream.linear.gather [hbm4b:s2+s1], $0x80, $0x38;
	[tilespmem:$0x10200] =	vst v63  }
0x194: {  	v0 =	vld [tilespmem:s21+$0x0];
	_ =	sdelay $0x4  }
0x195: {  	v0 =	vshll.u32 v0, $0x4  }
0x196: {  	(v2sf) =	vpush v0, $0x0  }
0x197: {  	(v2sf) =	vpush v0, $0x1  }
0x198: {  	(v2sf) =	vpush v0, $0x2;
	_ =	sdelay $0x1  }
0x199: {  	(v2sf) =	vpush v0, $0x4  }
.Ltmp3:
0x19a: {  	(pc) =	sbr.rel @p0 .LBB2_8-.Ltmp3, $3  }
0x19b: {  	(v2sf) =	vpush v0, $0x3  }
0x19c: {  	(v2sf) =	vpush v0, $0x5;
	_ =	sdelay $0x1  }
0x19d: {  	s20 =	sshra.s32 s23, $0x2;
	(v2sf) =	vpush v0, $0x6  }
0x19e: {  	_ =	sdelay $0x1  }
0x19f: {  	s0 =	sadd.s32 $0x280, s20;
	s23 =	sadd.s32 $0x780, s20  }
0x1a0: {  	s2 =	sadd.s32 $0x580, s20;
	s21 =	sadd.s32 $0x800, s20;
	(v2sf) =	vpush v0, $0x7;
	s7 =	sadd.s32 $0x480, s20  }
0x1a1: {  	s8 =	sadd.s32 $0x600, s20;
	s22 =	sadd.s32 $0x880, s20;
	s9 =	sadd.s32 $0x200, s20  }
0x1a2: {  	s10 =	sadd.s32 $0x400, s20;
	s11 =	sadd.s32 $0x500, s20;
	(v2sf) =	vpush v0, $0x8;
	s12 =	spop (v2sf)  }
0x1a3: {  	s13 =	sadd.s32 $0x300, s20;
	s12 =	sand.u32 $0x1FFFFFF0, s12;
	s24 =	spop (v2sf)  }
0x1a4: {  	(v2sf) =	vpush v0, $0x9;
	s12 =	sadd.s32 s6, s12;
	s24 =	sand.u32 $0x1FFFFFF0, s24;
	s25 =	spop (v2sf)  }
0x1a5: {  	[tilespmem:s9], [sflag:$0x1] =	stream.linear.gather [hbm4b:s12+s1], $0x80, $0x38;
	[tilespmem:$0x10200] =	vst v63  }
0x1a6: {  	(v2sf) =	vpush v0, $0xA;
	s26 =	sadd.s32 s6, s24;
	s29 =	sand.u32 $0x1FFFFFF0, s25;
	s28 =	spop (v2sf)  }
0x1a7: {  	[tilespmem:s0], [sflag:$0x1] =	stream.linear.gather [hbm4b:s26+s1], $0x80, $0x38;
	[tilespmem:$0x10200] =	vst v63  }
0x1a8: {  	s9 =	sadd.s32 $0x700, s20;
	(v2sf) =	vpush v0, $0xB;
	s12 =	sadd.s32 s6, s29;
	s30 =	spop (v2sf)  }
0x1a9: {  	s0 =	sadd.s32 $0x680, s20;
	s26 =	sadd.s32 $0x380, s20;
	s25 =	sand.u32 $0x1FFFFFF0, s30  }
0x1aa: {  	(v2sf) =	vpush v0, $0xC;
	[tilespmem:s13], [sflag:$0x1] =	stream.linear.gather [hbm4b:s12+s1], $0x80, $0x38;
	[tilespmem:$0x10200] =	vst v63  }
0x1ab: {  	s31 =	sand.u32 $0x1FFFFFF0, s28;
	s28 =	spop (v2sf);
	s29 =	sadd.s32 s6, s25  }
0x1ac: {  	(v2sf) =	vpush v0, $0xD;
	[tilespmem:s26], [sflag:$0x1] =	stream.linear.gather [hbm4b:s29+s1], $0x80, $0x38;
	[tilespmem:$0x10200] =	vst v63  }
0x1ad: {  	s12 =	sadd.s32 s6, s31;
	s13 =	sand.u32 $0x1FFFFFF0, s28;
	s30 =	spop (v2sf)  }
0x1ae: {  	(v2sf) =	vpush v0, $0xE;
	[tilespmem:s10], [sflag:$0x1] =	stream.linear.gather [hbm4b:s12+s1], $0x80, $0x38;
	[tilespmem:$0x10200] =	vst v63  }
0x1af: {  	s13 =	sadd.s32 s6, s13;
	s31 =	sand.u32 $0x1FFFFFF0, s30;
	s24 =	spop (v2sf)  }
0x1b0: {  	(v2sf) =	vpush v0, $0xF;
	[tilespmem:s7], [sflag:$0x1] =	stream.linear.gather [hbm4b:s13+s1], $0x80, $0x38;
	[tilespmem:$0x10200] =	vst v63  }
0x1b1: {  	s25 =	sand.u32 $0x1FFFFFF0, s24;
	s26 =	spop (v2sf);
	s10 =	sadd.s32 s6, s31  }
0x1b2: {  	[tilespmem:s11], [sflag:$0x1] =	stream.linear.gather [hbm4b:s10+s1], $0x80, $0x38;
	[tilespmem:$0x10200] =	vst v63  }
0x1b3: {  	s28 =	sand.u32 $0x1FFFFFF0, s26;
	s7 =	sadd.s32 s6, s25;
	s29 =	spop (v2sf)  }
0x1b4: {  	[tilespmem:s2], [sflag:$0x1] =	stream.linear.gather [hbm4b:s7+s1], $0x80, $0x38;
	[tilespmem:$0x10200] =	vst v63  }
0x1b5: {  	s10 =	sadd.s32 s6, s28;
	s30 =	sand.u32 $0x1FFFFFF0, s29;
	s31 =	spop (v2sf)  }
0x1b6: {  	[tilespmem:s8], [sflag:$0x1] =	stream.linear.gather [hbm4b:s10+s1], $0x80, $0x38;
	[tilespmem:$0x10200] =	vst v63  }
0x1b7: {  	s7 =	sand.u32 $0x1FFFFFF0, s31;
	s2 =	sadd.s32 s6, s30;
	s10 =	spop (v2sf)  }
0x1b8: {  	[tilespmem:s0], [sflag:$0x1] =	stream.linear.gather [hbm4b:s2+s1], $0x80, $0x38;
	[tilespmem:$0x10200] =	vst v63  }
0x1b9: {  	s7 =	sadd.s32 s6, s7;
	s11 =	sand.u32 $0x1FFFFFF0, s10;
	s12 =	spop (v2sf)  }
0x1ba: {  	[tilespmem:s9], [sflag:$0x1] =	stream.linear.gather [hbm4b:s7+s1], $0x80, $0x38;
	[tilespmem:$0x10200] =	vst v63  }
0x1bb: {  	s0 =	sadd.s32 s6, s11;
	s2 =	sand.u32 $0x1FFFFFF0, s12;
	s13 =	spop (v2sf)  }
0x1bc: {  	[tilespmem:s23], [sflag:$0x1] =	stream.linear.gather [hbm4b:s0+s1], $0x80, $0x38;
	[tilespmem:$0x10200] =	vst v63  }
0x1bd: {  	s24 =	sand.u32 $0x1FFFFFF0, s13;
	s2 =	sadd.s32 s6, s2;
	s25 =	spop (v2sf)  }
0x1be: {  	[tilespmem:s21], [sflag:$0x1] =	stream.linear.gather [hbm4b:s2+s1], $0x80, $0x38;
	[tilespmem:$0x10200] =	vst v63  }
0x1bf: {  	s26 =	sand.u32 $0x1FFFFFF0, s25;
	s28 =	spop (v2sf);
	s0 =	sadd.s32 s6, s24  }
0x1c0: {  	[tilespmem:s22], [sflag:$0x1] =	stream.linear.gather [hbm4b:s0+s1], $0x80, $0x38;
	[tilespmem:$0x10200] =	vst v63  }
0x1c1: {  	s30 =	sadd.s32 $0x900, s20;
	s29 =	sand.u32 $0x1FFFFFF0, s28;
	s2 =	sadd.s32 s6, s26  }
0x1c2: {  	[tilespmem:s30], [sflag:$0x1] =	stream.linear.gather [hbm4b:s2+s1], $0x80, $0x38;
	[tilespmem:$0x10200] =	vst v63  }
0x1c3: {  	s31 =	sadd.s32 $0x980, s20;
	s0 =	sadd.s32 s6, s29  }
0x1c4: {  	[tilespmem:s31], [sflag:$0x1] =	stream.linear.gather [hbm4b:s0+s1], $0x80, $0x38;
	[tilespmem:$0x10200] =	vst v63  }
0x1c5: {  	s19 =	sadd.s32 $0x1, s19;
	_ =	swait.ge [sflag:s17], $0x10000  }
0x1c6: {  	p0 =	sne.s32 s19, s15;
	[sflag:s17] =	ssyncset.done $0x0  }
.Ltmp4:
0x1c7: {  	[sflag:s17] =	ssyncadd.s32 $0xFFFF0000;
	(pc) =	sbr.rel @p0 .LBB2_1-.Ltmp4, $4  }
0x1c8: {  	[hbm4b:s14+s1] =	stream.linear.scatter [tilespmem:s18], [sflag:$0x2], $0x10000, $0x38;
	[tilespmem:$0x10200] =	vst v63  }
0x1c9: {  	_ =	swait.ge [sflag:s16], $0x10000  }
0x1ca: {  	[sflag:s16] =	ssyncset.done $0x0  }
0x1cb: {  	[sflag:s16] =	ssyncadd.s32 $0xFFFF0000  }
0x1cc: {  	_ =	sfence.sel $0x180000  }
0x1cd: {  	[bflag:$0x0] =	sbarrier.arrive $0xFFFF  }
0x1ce: {  	_ =	strace $0x90000047  }
0x1cf: {  	s0 =	stileid.u32;
	[bflag:$0x2] =	sbarrier.arrive $0xFFFF  }
0x1d0: {  	p0 =	sne.s32 s0, $0x0;
	s0 =	rddreg [dreg:$0x5]  }
0x1d1: {  	s0 =	sadd.s32 @!p0 $0x100000, s0  }
0x1d2: {  	[sflag:s0] =	ssyncadd.tile.s32 @!p0 $0x1;
	_ =	shalt  }
.Lfunc_end2:
_tile_overlayer_lowered:
.L_overlay_start_2:
0x1d3: {  	(tag) =	ssettag $0x2  }
0x1d4: {  	s0 =	rddreg [dreg:$0x0];
	s2 =	stileid.u32  }
0x1d5: {  	s1 =	rddreg [dreg:$0x1];
	p0 =	sne.s32 s2, $0x0  }
0x1d6: {  	s3 =	rddreg [dreg:$0x2];
	[bflag:$0x3] =	sbarrier.arrive $0xFFFF;
	s2 =	simm.s32 @!p0 $0x1C02  }
0x1d7: {  	[timem:s3], [sflag:s2] =	dma.local @!p0 [hbm:s0], s1  }
0x1d8: {  	s0 =	simm.s32 @!p0 $0x2  }
0x1d9: {  	_ =	swait.ge @!p0 [sflag:s0], s1  }
0x1da: {  	s1 =	ssub.s32 @!p0 $0x0, s1;
	[sflag:s0] =	ssyncset.done @!p0 $0x0  }
0x1db: {  	[sflag:s0] =	ssyncadd.s32 @!p0 s1  }
0x1dc: {  	[bflag:$0x3] =	sbarrier.arrive $0xFFFF  }
0x1dd: {  	_ =	shalt  }

</sc_bundles>
